<compile_context>
chip_gen: v7x
topology: tpu7x:2x2x1
jax: 0.10.2.dev20260603
libtpu: 0.0.44.dev20260713+nightly
codegen_flags: <defaults>
</compile_context>

<pallas_src>
import functools

import jax
import jax.numpy as jnp
from jax import lax
from jax.experimental import pallas as pl
from jax.experimental.pallas import tpu as pltpu
from jax.experimental.pallas import tpu_sc as plsc

B = 16384
C = 1000

LAMB = max(5.0, 1500.0 / (1.0 + 0.1 * 1))
INV = 1.0 / (1.0 + LAMB)

_NC, _NS, _L = 2, 16, 16
_NW = _NC * _NS
_BPW = B // _NW


@functools.cache
def _make_sc_gather():
    mesh = plsc.VectorSubcoreMesh(
        core_axis_name="c", subcore_axis_name="s",
        num_cores=_NC, num_subcores=_NS,
    )

    @functools.partial(
        pl.kernel,
        out_type=jax.ShapeDtypeStruct((B,), jnp.float32),
        mesh=mesh,
        scratch_types=[
            pltpu.VMEM((_BPW,), jnp.int32),
            pltpu.VMEM((_BPW,), jnp.int32),
            pltpu.VMEM((_BPW,), jnp.float32),
            pltpu.SemaphoreType.DMA,
        ],
    )
    def _sc_gather(phi_hbm, tgt_hbm, pt_out, tgt_v, fidx_v, pg_v, sem):
        wid = lax.axis_index("s") * _NC + lax.axis_index("c")
        base = wid * _BPW
        pltpu.sync_copy(tgt_hbm.at[pl.ds(base, _BPW)], tgt_v)
        lane = lax.broadcasted_iota(jnp.int32, (_L,), 0)
        for g in range(_BPW // _L):
            t16 = tgt_v[pl.ds(g * _L, _L)]
            fidx_v[pl.ds(g * _L, _L)] = (base + g * _L + lane) * jnp.int32(C) + t16
        pltpu.async_copy(phi_hbm.at[fidx_v], pg_v, sem).wait()
        pltpu.sync_copy(pg_v, pt_out.at[pl.ds(base, _BPW)])

    return _sc_gather


_R = 2048
_NT = B // _R


def _rows_body(cos_ref, tgt_ref, m_ref, s_ref, ct_ref):
    x = cos_ref[...]
    t = tgt_ref[...]
    m = jnp.max(x, axis=1, keepdims=True)
    s = jnp.sum(jnp.exp(x - m), axis=1, keepdims=True)
    col = lax.broadcasted_iota(jnp.int32, x.shape, 1)
    ct = jnp.sum(jnp.where(col == t, x, 0.0), axis=1, keepdims=True)
    m_ref[...] = m.reshape(_R)
    s_ref[...] = s.reshape(_R)
    ct_ref[...] = ct.reshape(_R)


_rows_call = pl.pallas_call(
    _rows_body,
    grid=(_NT,),
    in_specs=[
        pl.BlockSpec((_R, C), lambda i: (i, 0)),
        pl.BlockSpec((_R, 1), lambda i: (i, 0)),
    ],
    out_specs=[
        pl.BlockSpec((_R,), lambda i: (i,)),
        pl.BlockSpec((_R,), lambda i: (i,)),
        pl.BlockSpec((_R,), lambda i: (i,)),
    ],
    out_shape=[
        jax.ShapeDtypeStruct((B,), jnp.float32),
        jax.ShapeDtypeStruct((B,), jnp.float32),
        jax.ShapeDtypeStruct((B,), jnp.float32),
    ],
)


def _combine_body(m_ref, s_ref, ct_ref, pt_ref, out_ref):
    M = m_ref[...]
    S0 = s_ref[...]
    ct = ct_ref[...]
    pt = pt_ref[...]
    out_t = ct - ct * INV + pt * INV
    m = jnp.maximum(M, out_t)
    S = S0 * jnp.exp(M - m) - jnp.exp(ct - m) + jnp.exp(out_t - m)
    loss = m + jnp.log(S) - out_t
    out_ref[...] = (jnp.sum(loss) * (1.0 / B)).reshape(1, 1)


_combine_call = pl.pallas_call(
    _combine_body,
    out_shape=jax.ShapeDtypeStruct((1, 1), jnp.float32),
)


def kernel(cos_theta, phi_theta, target):
    tgt = target.reshape(-1).astype(jnp.int32)
    pt = _make_sc_gather()(phi_theta.reshape(B * C), tgt)
    m, s0, ct = _rows_call(cos_theta, tgt.reshape(B, 1))
    out = _combine_call(m, s0, ct, pt)
    return out.reshape(())

# --- scband reference (transcript-rebuilt; emitter-appended) ---
"""Pipeline reference for scband-angle-loss-78262894067813 (READ-ONLY COPY).

The authoritative reference and input builder live on the scoring server;
editing this copy changes nothing except your own understanding.
"""

import jax, jax.numpy as jnp
import numpy as np

B = 16384
C = 1000

def setup_inputs(seed: int = 0) -> dict:
    key = jax.random.key(seed)
    k1, k2, k3 = jax.random.split(key, 3)
    cos_theta = jax.random.normal(k1, (B, C), dtype=jnp.float32)
    phi_theta = jax.random.normal(k2, (B, C), dtype=jnp.float32)
    target = jax.random.randint(k3, (B,), 0, C, dtype=jnp.int64)
    return {"cos_theta": cos_theta, "phi_theta": phi_theta, "target": target}

def reference(cos_theta, phi_theta, target):
    # AngleLoss forward, first call: it = 1
    gamma = 0
    it = 1
    LambdaMin = 5.0
    LambdaMax = 1500.0
    lamb = max(LambdaMin, LambdaMax / (1.0 + 0.1 * it))
    b, c = cos_theta.shape
    tgt = target.reshape(-1)
    # index = zeros(bool).scatter_(1, target, 1)
    index = jnp.zeros((b, c), dtype=bool).at[jnp.arange(b), tgt].set(True)
    # output[index] -= cos_theta[index]/(1+lamb); output[index] += phi_theta[index]/(1+lamb)
    output = jnp.where(
        index,
        cos_theta - cos_theta / (1.0 + lamb) + phi_theta / (1.0 + lamb),
        cos_theta,
    )
    logpt_full = jax.nn.log_softmax(output, axis=1)
    logpt = jnp.take_along_axis(logpt_full, tgt[:, None], axis=1).reshape(-1)
    pt = jnp.exp(logpt)
    loss = -1.0 * (1.0 - pt) ** gamma * logpt
    return jnp.mean(loss)

if __name__ == "__main__":
    import jax
    _d = setup_inputs()
    print(jax.jit(kernel)(*tuple(_d.values())))

</pallas_src>

<mosaic_0001>
#map = affine_map<(d0, d1) -> (0)>
module attributes {stable_mosaic.version = 14 : i64} {
  func.func @_sc_gather(%arg0: i32, %arg1: i32, %arg2: memref<16384000xf32, #tpu.memory_space<hbm>>, %arg3: memref<16384xi32, #tpu.memory_space<hbm>>, %arg4: memref<16384xf32, #tpu.memory_space<hbm>>, %arg5: memref<512xi32, #tpu.memory_space<vmem>>, %arg6: memref<512xi32, #tpu.memory_space<vmem>>, %arg7: memref<512xf32, #tpu.memory_space<vmem>>, %arg8: memref<!tpu.dma_semaphore, #tpu.memory_space<semaphore_mem>>) attributes {dimension_semantics = [#tpu.dimension_semantics<core_parallel>, #tpu.dimension_semantics<subcore_parallel>], iteration_bounds = array<i64: 2, 16>, scalar_prefetch = 0 : i64, scratch_operands = 4 : i64, tpu.core_type = #tpu.core_type<sc_vector_subcore>, window_params = [{transform_indices = #map}, {transform_indices = #map}, {transform_indices = #map}]} {
    %mul3A = arith.constant 2 : i32
    %mul3A_0 = arith.muli %arg1, %mul3A : i32
    %add3A = arith.addi %mul3A_0, %arg0 : i32
    %mul3A_1 = arith.constant 512 : i32
    %mul3A_2 = arith.muli %add3A, %mul3A_1 : i32
    "tpu.region"() ({
      %run_scoped3A = tpu.sem_alloc : memref<!tpu.dma_semaphore, #tpu.memory_space<semaphore_mem>>
      %dma_start3A_483 = tpu.memref_slice %arg3[%mul3A_2] : memref<16384xi32, #tpu.memory_space<hbm>> -> memref<512xi32, #tpu.memory_space<hbm>>
      %dma_start3A_484 = tpu.memref_slice %arg3[%mul3A_2] : memref<16384xi32, #tpu.memory_space<hbm>> -> memref<512xi32, #tpu.memory_space<hbm>>
      tpu.enqueue_dma source(%dma_start3A_484 : memref<512xi32, #tpu.memory_space<hbm>>) target(%arg5 : memref<512xi32, #tpu.memory_space<vmem>>) target_semaphore(%run_scoped3A : memref<!tpu.dma_semaphore, #tpu.memory_space<semaphore_mem>>)
      %dma_wait3A_485 = tpu.memref_slice %arg3[%mul3A_2] : memref<16384xi32, #tpu.memory_space<hbm>> -> memref<512xi32, #tpu.memory_space<hbm>>
      %dma_wait3A_486 = tpu.memref_slice %arg3[%mul3A_2] : memref<16384xi32, #tpu.memory_space<hbm>> -> memref<512xi32, #tpu.memory_space<hbm>>
      tpu.wait_dma2 semaphore(%run_scoped3A : memref<!tpu.dma_semaphore, #tpu.memory_space<semaphore_mem>>) src(%dma_wait3A_486 : memref<512xi32, #tpu.memory_space<hbm>>) dst(%arg5 : memref<512xi32, #tpu.memory_space<vmem>>)
      tpu.yield
    }) : () -> ()
    %iota3A = tpu.iota {dimensions = array<i32: 0>} : vector<16xi32>
    %get3A = arith.constant 0 : index
    %get3A_3 = tpu.vector_load %arg5[%get3A] {strides = array<i32>} : memref<512xi32, #tpu.memory_space<vmem>>, vector<16xi32>,
    %get3A_4 = vector.shape_cast %get3A_3 : vector<16xi32> to vector<16xi32>
    %add3A_5 = arith.constant 0 : i32
    %add3A_6 = arith.addi %mul3A_2, %add3A_5 : i32
    %add3A_7 = vector.broadcast %add3A_6 : i32 to vector<16xi32>
    %add3A_8 = arith.addi %add3A_7, %iota3A : vector<16xi32>
    %mul3A_9 = arith.constant 1000 : i32
    %mul3A_10 = vector.broadcast %mul3A_9 : i32 to vector<16xi32>
    %mul3A_11 = arith.muli %add3A_8, %mul3A_10 : vector<16xi32>
    %add3A_12 = arith.addi %mul3A_11, %get3A_4 : vector<16xi32>
    %swap3A = arith.constant 0 : index
    %swap3A_13 = tpu.vector_load %arg6[%swap3A] {strides = array<i32>} : memref<512xi32, #tpu.memory_space<vmem>>, vector<16xi32>,
    %swap3A_14 = vector.shape_cast %swap3A_13 : vector<16xi32> to vector<16xi32>
    %swap3A_15 = vector.shape_cast %add3A_12 : vector<16xi32> to vector<16xi32>
    tpu.vector_store %arg6[%swap3A], %swap3A_15 {strides = array<i32>} : memref<512xi32, #tpu.memory_space<vmem>>, vector<16xi32>,
    %get3A_16 = arith.constant 16 : index
    %get3A_17 = tpu.vector_load %arg5[%get3A_16] {strides = array<i32>} : memref<512xi32, #tpu.memory_space<vmem>>, vector<16xi32>,
    %get3A_18 = vector.shape_cast %get3A_17 : vector<16xi32> to vector<16xi32>
    %add3A_19 = arith.constant 16 : i32
    %add3A_20 = arith.addi %mul3A_2, %add3A_19 : i32
    %add3A_21 = vector.broadcast %add3A_20 : i32 to vector<16xi32>
    %add3A_22 = arith.addi %add3A_21, %iota3A : vector<16xi32>
    %mul3A_23 = arith.constant 1000 : i32
    %mul3A_24 = vector.broadcast %mul3A_23 : i32 to vector<16xi32>
    %mul3A_25 = arith.muli %add3A_22, %mul3A_24 : vector<16xi32>
    %add3A_26 = arith.addi %mul3A_25, %get3A_18 : vector<16xi32>
    %swap3A_27 = arith.constant 16 : index
    %swap3A_28 = tpu.vector_load %arg6[%swap3A_27] {strides = array<i32>} : memref<512xi32, #tpu.memory_space<vmem>>, vector<16xi32>,
    %swap3A_29 = vector.shape_cast %swap3A_28 : vector<16xi32> to vector<16xi32>
    %swap3A_30 = vector.shape_cast %add3A_26 : vector<16xi32> to vector<16xi32>
    tpu.vector_store %arg6[%swap3A_27], %swap3A_30 {strides = array<i32>} : memref<512xi32, #tpu.memory_space<vmem>>, vector<16xi32>,
    %get3A_31 = arith.constant 32 : index
    %get3A_32 = tpu.vector_load %arg5[%get3A_31] {strides = array<i32>} : memref<512xi32, #tpu.memory_space<vmem>>, vector<16xi32>,
    %get3A_33 = vector.shape_cast %get3A_32 : vector<16xi32> to vector<16xi32>
    %add3A_34 = arith.constant 32 : i32
    %add3A_35 = arith.addi %mul3A_2, %add3A_34 : i32
    %add3A_36 = vector.broadcast %add3A_35 : i32 to vector<16xi32>
    %add3A_37 = arith.addi %add3A_36, %iota3A : vector<16xi32>
    %mul3A_38 = arith.constant 1000 : i32
    %mul3A_39 = vector.broadcast %mul3A_38 : i32 to vector<16xi32>
    %mul3A_40 = arith.muli %add3A_37, %mul3A_39 : vector<16xi32>
    %add3A_41 = arith.addi %mul3A_40, %get3A_33 : vector<16xi32>
    %swap3A_42 = arith.constant 32 : index
    %swap3A_43 = tpu.vector_load %arg6[%swap3A_42] {strides = array<i32>} : memref<512xi32, #tpu.memory_space<vmem>>, vector<16xi32>,
    %swap3A_44 = vector.shape_cast %swap3A_43 : vector<16xi32> to vector<16xi32>
    %swap3A_45 = vector.shape_cast %add3A_41 : vector<16xi32> to vector<16xi32>
    tpu.vector_store %arg6[%swap3A_42], %swap3A_45 {strides = array<i32>} : memref<512xi32, #tpu.memory_space<vmem>>, vector<16xi32>,
    %get3A_46 = arith.constant 48 : index
    %get3A_47 = tpu.vector_load %arg5[%get3A_46] {strides = array<i32>} : memref<512xi32, #tpu.memory_space<vmem>>, vector<16xi32>,
    %get3A_48 = vector.shape_cast %get3A_47 : vector<16xi32> to vector<16xi32>
    %add3A_49 = arith.constant 48 : i32
    %add3A_50 = arith.addi %mul3A_2, %add3A_49 : i32
    %add3A_51 = vector.broadcast %add3A_50 : i32 to vector<16xi32>
    %add3A_52 = arith.addi %add3A_51, %iota3A : vector<16xi32>
    %mul3A_53 = arith.constant 1000 : i32
    %mul3A_54 = vector.broadcast %mul3A_53 : i32 to vector<16xi32>
    %mul3A_55 = arith.muli %add3A_52, %mul3A_54 : vector<16xi32>
    %add3A_56 = arith.addi %mul3A_55, %get3A_48 : vector<16xi32>
    %swap3A_57 = arith.constant 48 : index
    %swap3A_58 = tpu.vector_load %arg6[%swap3A_57] {strides = array<i32>} : memref<512xi32, #tpu.memory_space<vmem>>, vector<16xi32>,
    %swap3A_59 = vector.shape_cast %swap3A_58 : vector<16xi32> to vector<16xi32>
    %swap3A_60 = vector.shape_cast %add3A_56 : vector<16xi32> to vector<16xi32>
    tpu.vector_store %arg6[%swap3A_57], %swap3A_60 {strides = array<i32>} : memref<512xi32, #tpu.memory_space<vmem>>, vector<16xi32>,
    %get3A_61 = arith.constant 64 : index
    %get3A_62 = tpu.vector_load %arg5[%get3A_61] {strides = array<i32>} : memref<512xi32, #tpu.memory_space<vmem>>, vector<16xi32>,
    %get3A_63 = vector.shape_cast %get3A_62 : vector<16xi32> to vector<16xi32>
    %add3A_64 = arith.constant 64 : i32
    %add3A_65 = arith.addi %mul3A_2, %add3A_64 : i32
    %add3A_66 = vector.broadcast %add3A_65 : i32 to vector<16xi32>
    %add3A_67 = arith.addi %add3A_66, %iota3A : vector<16xi32>
    %mul3A_68 = arith.constant 1000 : i32
    %mul3A_69 = vector.broadcast %mul3A_68 : i32 to vector<16xi32>
    %mul3A_70 = arith.muli %add3A_67, %mul3A_69 : vector<16xi32>
    %add3A_71 = arith.addi %mul3A_70, %get3A_63 : vector<16xi32>
    %swap3A_72 = arith.constant 64 : index
    %swap3A_73 = tpu.vector_load %arg6[%swap3A_72] {strides = array<i32>} : memref<512xi32, #tpu.memory_space<vmem>>, vector<16xi32>,
    %swap3A_74 = vector.shape_cast %swap3A_73 : vector<16xi32> to vector<16xi32>
    %swap3A_75 = vector.shape_cast %add3A_71 : vector<16xi32> to vector<16xi32>
    tpu.vector_store %arg6[%swap3A_72], %swap3A_75 {strides = array<i32>} : memref<512xi32, #tpu.memory_space<vmem>>, vector<16xi32>,
    %get3A_76 = arith.constant 80 : index
    %get3A_77 = tpu.vector_load %arg5[%get3A_76] {strides = array<i32>} : memref<512xi32, #tpu.memory_space<vmem>>, vector<16xi32>,
    %get3A_78 = vector.shape_cast %get3A_77 : vector<16xi32> to vector<16xi32>
    %add3A_79 = arith.constant 80 : i32
    %add3A_80 = arith.addi %mul3A_2, %add3A_79 : i32
    %add3A_81 = vector.broadcast %add3A_80 : i32 to vector<16xi32>
    %add3A_82 = arith.addi %add3A_81, %iota3A : vector<16xi32>
    %mul3A_83 = arith.constant 1000 : i32
    %mul3A_84 = vector.broadcast %mul3A_83 : i32 to vector<16xi32>
    %mul3A_85 = arith.muli %add3A_82, %mul3A_84 : vector<16xi32>
    %add3A_86 = arith.addi %mul3A_85, %get3A_78 : vector<16xi32>
    %swap3A_87 = arith.constant 80 : index
    %swap3A_88 = tpu.vector_load %arg6[%swap3A_87] {strides = array<i32>} : memref<512xi32, #tpu.memory_space<vmem>>, vector<16xi32>,
    %swap3A_89 = vector.shape_cast %swap3A_88 : vector<16xi32> to vector<16xi32>
    %swap3A_90 = vector.shape_cast %add3A_86 : vector<16xi32> to vector<16xi32>
    tpu.vector_store %arg6[%swap3A_87], %swap3A_90 {strides = array<i32>} : memref<512xi32, #tpu.memory_space<vmem>>, vector<16xi32>,
    %get3A_91 = arith.constant 96 : index
    %get3A_92 = tpu.vector_load %arg5[%get3A_91] {strides = array<i32>} : memref<512xi32, #tpu.memory_space<vmem>>, vector<16xi32>,
    %get3A_93 = vector.shape_cast %get3A_92 : vector<16xi32> to vector<16xi32>
    %add3A_94 = arith.constant 96 : i32
    %add3A_95 = arith.addi %mul3A_2, %add3A_94 : i32
    %add3A_96 = vector.broadcast %add3A_95 : i32 to vector<16xi32>
    %add3A_97 = arith.addi %add3A_96, %iota3A : vector<16xi32>
    %mul3A_98 = arith.constant 1000 : i32
    %mul3A_99 = vector.broadcast %mul3A_98 : i32 to vector<16xi32>
    %mul3A_100 = arith.muli %add3A_97, %mul3A_99 : vector<16xi32>
    %add3A_101 = arith.addi %mul3A_100, %get3A_93 : vector<16xi32>
    %swap3A_102 = arith.constant 96 : index
    %swap3A_103 = tpu.vector_load %arg6[%swap3A_102] {strides = array<i32>} : memref<512xi32, #tpu.memory_space<vmem>>, vector<16xi32>,
    %swap3A_104 = vector.shape_cast %swap3A_103 : vector<16xi32> to vector<16xi32>
    %swap3A_105 = vector.shape_cast %add3A_101 : vector<16xi32> to vector<16xi32>
    tpu.vector_store %arg6[%swap3A_102], %swap3A_105 {strides = array<i32>} : memref<512xi32, #tpu.memory_space<vmem>>, vector<16xi32>,
    %get3A_106 = arith.constant 112 : index
    %get3A_107 = tpu.vector_load %arg5[%get3A_106] {strides = array<i32>} : memref<512xi32, #tpu.memory_space<vmem>>, vector<16xi32>,
    %get3A_108 = vector.shape_cast %get3A_107 : vector<16xi32> to vector<16xi32>
    %add3A_109 = arith.constant 112 : i32
    %add3A_110 = arith.addi %mul3A_2, %add3A_109 : i32
    %add3A_111 = vector.broadcast %add3A_110 : i32 to vector<16xi32>
    %add3A_112 = arith.addi %add3A_111, %iota3A : vector<16xi32>
    %mul3A_113 = arith.constant 1000 : i32
    %mul3A_114 = vector.broadcast %mul3A_113 : i32 to vector<16xi32>
    %mul3A_115 = arith.muli %add3A_112, %mul3A_114 : vector<16xi32>
    %add3A_116 = arith.addi %mul3A_115, %get3A_108 : vector<16xi32>
    %swap3A_117 = arith.constant 112 : index
    %swap3A_118 = tpu.vector_load %arg6[%swap3A_117] {strides = array<i32>} : memref<512xi32, #tpu.memory_space<vmem>>, vector<16xi32>,
    %swap3A_119 = vector.shape_cast %swap3A_118 : vector<16xi32> to vector<16xi32>
    %swap3A_120 = vector.shape_cast %add3A_116 : vector<16xi32> to vector<16xi32>
    tpu.vector_store %arg6[%swap3A_117], %swap3A_120 {strides = array<i32>} : memref<512xi32, #tpu.memory_space<vmem>>, vector<16xi32>,
    %get3A_121 = arith.constant 128 : index
    %get3A_122 = tpu.vector_load %arg5[%get3A_121] {strides = array<i32>} : memref<512xi32, #tpu.memory_space<vmem>>, vector<16xi32>,
    %get3A_123 = vector.shape_cast %get3A_122 : vector<16xi32> to vector<16xi32>
    %add3A_124 = arith.constant 128 : i32
    %add3A_125 = arith.addi %mul3A_2, %add3A_124 : i32
    %add3A_126 = vector.broadcast %add3A_125 : i32 to vector<16xi32>
    %add3A_127 = arith.addi %add3A_126, %iota3A : vector<16xi32>
    %mul3A_128 = arith.constant 1000 : i32
    %mul3A_129 = vector.broadcast %mul3A_128 : i32 to vector<16xi32>
    %mul3A_130 = arith.muli %add3A_127, %mul3A_129 : vector<16xi32>
    %add3A_131 = arith.addi %mul3A_130, %get3A_123 : vector<16xi32>
    %swap3A_132 = arith.constant 128 : index
    %swap3A_133 = tpu.vector_load %arg6[%swap3A_132] {strides = array<i32>} : memref<512xi32, #tpu.memory_space<vmem>>, vector<16xi32>,
    %swap3A_134 = vector.shape_cast %swap3A_133 : vector<16xi32> to vector<16xi32>
    %swap3A_135 = vector.shape_cast %add3A_131 : vector<16xi32> to vector<16xi32>
    tpu.vector_store %arg6[%swap3A_132], %swap3A_135 {strides = array<i32>} : memref<512xi32, #tpu.memory_space<vmem>>, vector<16xi32>,
    %get3A_136 = arith.constant 144 : index
    %get3A_137 = tpu.vector_load %arg5[%get3A_136] {strides = array<i32>} : memref<512xi32, #tpu.memory_space<vmem>>, vector<16xi32>,
    %get3A_138 = vector.shape_cast %get3A_137 : vector<16xi32> to vector<16xi32>
    %add3A_139 = arith.constant 144 : i32
    %add3A_140 = arith.addi %mul3A_2, %add3A_139 : i32
    %add3A_141 = vector.broadcast %add3A_140 : i32 to vector<16xi32>
    %add3A_142 = arith.addi %add3A_141, %iota3A : vector<16xi32>
    %mul3A_143 = arith.constant 1000 : i32
    %mul3A_144 = vector.broadcast %mul3A_143 : i32 to vector<16xi32>
    %mul3A_145 = arith.muli %add3A_142, %mul3A_144 : vector<16xi32>
    %add3A_146 = arith.addi %mul3A_145, %get3A_138 : vector<16xi32>
    %swap3A_147 = arith.constant 144 : index
    %swap3A_148 = tpu.vector_load %arg6[%swap3A_147] {strides = array<i32>} : memref<512xi32, #tpu.memory_space<vmem>>, vector<16xi32>,
    %swap3A_149 = vector.shape_cast %swap3A_148 : vector<16xi32> to vector<16xi32>
    %swap3A_150 = vector.shape_cast %add3A_146 : vector<16xi32> to vector<16xi32>
    tpu.vector_store %arg6[%swap3A_147], %swap3A_150 {strides = array<i32>} : memref<512xi32, #tpu.memory_space<vmem>>, vector<16xi32>,
    %get3A_151 = arith.constant 160 : index
    %get3A_152 = tpu.vector_load %arg5[%get3A_151] {strides = array<i32>} : memref<512xi32, #tpu.memory_space<vmem>>, vector<16xi32>,
    %get3A_153 = vector.shape_cast %get3A_152 : vector<16xi32> to vector<16xi32>
    %add3A_154 = arith.constant 160 : i32
    %add3A_155 = arith.addi %mul3A_2, %add3A_154 : i32
    %add3A_156 = vector.broadcast %add3A_155 : i32 to vector<16xi32>
    %add3A_157 = arith.addi %add3A_156, %iota3A : vector<16xi32>
    %mul3A_158 = arith.constant 1000 : i32
    %mul3A_159 = vector.broadcast %mul3A_158 : i32 to vector<16xi32>
    %mul3A_160 = arith.muli %add3A_157, %mul3A_159 : vector<16xi32>
    %add3A_161 = arith.addi %mul3A_160, %get3A_153 : vector<16xi32>
    %swap3A_162 = arith.constant 160 : index
    %swap3A_163 = tpu.vector_load %arg6[%swap3A_162] {strides = array<i32>} : memref<512xi32, #tpu.memory_space<vmem>>, vector<16xi32>,
    %swap3A_164 = vector.shape_cast %swap3A_163 : vector<16xi32> to vector<16xi32>
    %swap3A_165 = vector.shape_cast %add3A_161 : vector<16xi32> to vector<16xi32>
    tpu.vector_store %arg6[%swap3A_162], %swap3A_165 {strides = array<i32>} : memref<512xi32, #tpu.memory_space<vmem>>, vector<16xi32>,
    %get3A_166 = arith.constant 176 : index
    %get3A_167 = tpu.vector_load %arg5[%get3A_166] {strides = array<i32>} : memref<512xi32, #tpu.memory_space<vmem>>, vector<16xi32>,
    %get3A_168 = vector.shape_cast %get3A_167 : vector<16xi32> to vector<16xi32>
    %add3A_169 = arith.constant 176 : i32
    %add3A_170 = arith.addi %mul3A_2, %add3A_169 : i32
    %add3A_171 = vector.broadcast %add3A_170 : i32 to vector<16xi32>
    %add3A_172 = arith.addi %add3A_171, %iota3A : vector<16xi32>
    %mul3A_173 = arith.constant 1000 : i32
    %mul3A_174 = vector.broadcast %mul3A_173 : i32 to vector<16xi32>
    %mul3A_175 = arith.muli %add3A_172, %mul3A_174 : vector<16xi32>
    %add3A_176 = arith.addi %mul3A_175, %get3A_168 : vector<16xi32>
    %swap3A_177 = arith.constant 176 : index
    %swap3A_178 = tpu.vector_load %arg6[%swap3A_177] {strides = array<i32>} : memref<512xi32, #tpu.memory_space<vmem>>, vector<16xi32>,
    %swap3A_179 = vector.shape_cast %swap3A_178 : vector<16xi32> to vector<16xi32>
    %swap3A_180 = vector.shape_cast %add3A_176 : vector<16xi32> to vector<16xi32>
    tpu.vector_store %arg6[%swap3A_177], %swap3A_180 {strides = array<i32>} : memref<512xi32, #tpu.memory_space<vmem>>, vector<16xi32>,
    %get3A_181 = arith.constant 192 : index
    %get3A_182 = tpu.vector_load %arg5[%get3A_181] {strides = array<i32>} : memref<512xi32, #tpu.memory_space<vmem>>, vector<16xi32>,
    %get3A_183 = vector.shape_cast %get3A_182 : vector<16xi32> to vector<16xi32>
    %add3A_184 = arith.constant 192 : i32
    %add3A_185 = arith.addi %mul3A_2, %add3A_184 : i32
    %add3A_186 = vector.broadcast %add3A_185 : i32 to vector<16xi32>
    %add3A_187 = arith.addi %add3A_186, %iota3A : vector<16xi32>
    %mul3A_188 = arith.constant 1000 : i32
    %mul3A_189 = vector.broadcast %mul3A_188 : i32 to vector<16xi32>
    %mul3A_190 = arith.muli %add3A_187, %mul3A_189 : vector<16xi32>
    %add3A_191 = arith.addi %mul3A_190, %get3A_183 : vector<16xi32>
    %swap3A_192 = arith.constant 192 : index
    %swap3A_193 = tpu.vector_load %arg6[%swap3A_192] {strides = array<i32>} : memref<512xi32, #tpu.memory_space<vmem>>, vector<16xi32>,
    %swap3A_194 = vector.shape_cast %swap3A_193 : vector<16xi32> to vector<16xi32>
    %swap3A_195 = vector.shape_cast %add3A_191 : vector<16xi32> to vector<16xi32>
    tpu.vector_store %arg6[%swap3A_192], %swap3A_195 {strides = array<i32>} : memref<512xi32, #tpu.memory_space<vmem>>, vector<16xi32>,
    %get3A_196 = arith.constant 208 : index
    %get3A_197 = tpu.vector_load %arg5[%get3A_196] {strides = array<i32>} : memref<512xi32, #tpu.memory_space<vmem>>, vector<16xi32>,
    %get3A_198 = vector.shape_cast %get3A_197 : vector<16xi32> to vector<16xi32>
    %add3A_199 = arith.constant 208 : i32
    %add3A_200 = arith.addi %mul3A_2, %add3A_199 : i32
    %add3A_201 = vector.broadcast %add3A_200 : i32 to vector<16xi32>
    %add3A_202 = arith.addi %add3A_201, %iota3A : vector<16xi32>
    %mul3A_203 = arith.constant 1000 : i32
    %mul3A_204 = vector.broadcast %mul3A_203 : i32 to vector<16xi32>
    %mul3A_205 = arith.muli %add3A_202, %mul3A_204 : vector<16xi32>
    %add3A_206 = arith.addi %mul3A_205, %get3A_198 : vector<16xi32>
    %swap3A_207 = arith.constant 208 : index
    %swap3A_208 = tpu.vector_load %arg6[%swap3A_207] {strides = array<i32>} : memref<512xi32, #tpu.memory_space<vmem>>, vector<16xi32>,
    %swap3A_209 = vector.shape_cast %swap3A_208 : vector<16xi32> to vector<16xi32>
    %swap3A_210 = vector.shape_cast %add3A_206 : vector<16xi32> to vector<16xi32>
    tpu.vector_store %arg6[%swap3A_207], %swap3A_210 {strides = array<i32>} : memref<512xi32, #tpu.memory_space<vmem>>, vector<16xi32>,
    %get3A_211 = arith.constant 224 : index
    %get3A_212 = tpu.vector_load %arg5[%get3A_211] {strides = array<i32>} : memref<512xi32, #tpu.memory_space<vmem>>, vector<16xi32>,
    %get3A_213 = vector.shape_cast %get3A_212 : vector<16xi32> to vector<16xi32>
    %add3A_214 = arith.constant 224 : i32
    %add3A_215 = arith.addi %mul3A_2, %add3A_214 : i32
    %add3A_216 = vector.broadcast %add3A_215 : i32 to vector<16xi32>
    %add3A_217 = arith.addi %add3A_216, %iota3A : vector<16xi32>
    %mul3A_218 = arith.constant 1000 : i32
    %mul3A_219 = vector.broadcast %mul3A_218 : i32 to vector<16xi32>
    %mul3A_220 = arith.muli %add3A_217, %mul3A_219 : vector<16xi32>
    %add3A_221 = arith.addi %mul3A_220, %get3A_213 : vector<16xi32>
    %swap3A_222 = arith.constant 224 : index
    %swap3A_223 = tpu.vector_load %arg6[%swap3A_222] {strides = array<i32>} : memref<512xi32, #tpu.memory_space<vmem>>, vector<16xi32>,
    %swap3A_224 = vector.shape_cast %swap3A_223 : vector<16xi32> to vector<16xi32>
    %swap3A_225 = vector.shape_cast %add3A_221 : vector<16xi32> to vector<16xi32>
    tpu.vector_store %arg6[%swap3A_222], %swap3A_225 {strides = array<i32>} : memref<512xi32, #tpu.memory_space<vmem>>, vector<16xi32>,
    %get3A_226 = arith.constant 240 : index
    %get3A_227 = tpu.vector_load %arg5[%get3A_226] {strides = array<i32>} : memref<512xi32, #tpu.memory_space<vmem>>, vector<16xi32>,
    %get3A_228 = vector.shape_cast %get3A_227 : vector<16xi32> to vector<16xi32>
    %add3A_229 = arith.constant 240 : i32
    %add3A_230 = arith.addi %mul3A_2, %add3A_229 : i32
    %add3A_231 = vector.broadcast %add3A_230 : i32 to vector<16xi32>
    %add3A_232 = arith.addi %add3A_231, %iota3A : vector<16xi32>
    %mul3A_233 = arith.constant 1000 : i32
    %mul3A_234 = vector.broadcast %mul3A_233 : i32 to vector<16xi32>
    %mul3A_235 = arith.muli %add3A_232, %mul3A_234 : vector<16xi32>
    %add3A_236 = arith.addi %mul3A_235, %get3A_228 : vector<16xi32>
    %swap3A_237 = arith.constant 240 : index
    %swap3A_238 = tpu.vector_load %arg6[%swap3A_237] {strides = array<i32>} : memref<512xi32, #tpu.memory_space<vmem>>, vector<16xi32>,
    %swap3A_239 = vector.shape_cast %swap3A_238 : vector<16xi32> to vector<16xi32>
    %swap3A_240 = vector.shape_cast %add3A_236 : vector<16xi32> to vector<16xi32>
    tpu.vector_store %arg6[%swap3A_237], %swap3A_240 {strides = array<i32>} : memref<512xi32, #tpu.memory_space<vmem>>, vector<16xi32>,
    %get3A_241 = arith.constant 256 : index
    %get3A_242 = tpu.vector_load %arg5[%get3A_241] {strides = array<i32>} : memref<512xi32, #tpu.memory_space<vmem>>, vector<16xi32>,
    %get3A_243 = vector.shape_cast %get3A_242 : vector<16xi32> to vector<16xi32>
    %add3A_244 = arith.constant 256 : i32
    %add3A_245 = arith.addi %mul3A_2, %add3A_244 : i32
    %add3A_246 = vector.broadcast %add3A_245 : i32 to vector<16xi32>
    %add3A_247 = arith.addi %add3A_246, %iota3A : vector<16xi32>
    %mul3A_248 = arith.constant 1000 : i32
    %mul3A_249 = vector.broadcast %mul3A_248 : i32 to vector<16xi32>
    %mul3A_250 = arith.muli %add3A_247, %mul3A_249 : vector<16xi32>
    %add3A_251 = arith.addi %mul3A_250, %get3A_243 : vector<16xi32>
    %swap3A_252 = arith.constant 256 : index
    %swap3A_253 = tpu.vector_load %arg6[%swap3A_252] {strides = array<i32>} : memref<512xi32, #tpu.memory_space<vmem>>, vector<16xi32>,
    %swap3A_254 = vector.shape_cast %swap3A_253 : vector<16xi32> to vector<16xi32>
    %swap3A_255 = vector.shape_cast %add3A_251 : vector<16xi32> to vector<16xi32>
    tpu.vector_store %arg6[%swap3A_252], %swap3A_255 {strides = array<i32>} : memref<512xi32, #tpu.memory_space<vmem>>, vector<16xi32>,
    %get3A_256 = arith.constant 272 : index
    %get3A_257 = tpu.vector_load %arg5[%get3A_256] {strides = array<i32>} : memref<512xi32, #tpu.memory_space<vmem>>, vector<16xi32>,
    %get3A_258 = vector.shape_cast %get3A_257 : vector<16xi32> to vector<16xi32>
    %add3A_259 = arith.constant 272 : i32
    %add3A_260 = arith.addi %mul3A_2, %add3A_259 : i32
    %add3A_261 = vector.broadcast %add3A_260 : i32 to vector<16xi32>
    %add3A_262 = arith.addi %add3A_261, %iota3A : vector<16xi32>
    %mul3A_263 = arith.constant 1000 : i32
    %mul3A_264 = vector.broadcast %mul3A_263 : i32 to vector<16xi32>
    %mul3A_265 = arith.muli %add3A_262, %mul3A_264 : vector<16xi32>
    %add3A_266 = arith.addi %mul3A_265, %get3A_258 : vector<16xi32>
    %swap3A_267 = arith.constant 272 : index
    %swap3A_268 = tpu.vector_load %arg6[%swap3A_267] {strides = array<i32>} : memref<512xi32, #tpu.memory_space<vmem>>, vector<16xi32>,
    %swap3A_269 = vector.shape_cast %swap3A_268 : vector<16xi32> to vector<16xi32>
    %swap3A_270 = vector.shape_cast %add3A_266 : vector<16xi32> to vector<16xi32>
    tpu.vector_store %arg6[%swap3A_267], %swap3A_270 {strides = array<i32>} : memref<512xi32, #tpu.memory_space<vmem>>, vector<16xi32>,
    %get3A_271 = arith.constant 288 : index
    %get3A_272 = tpu.vector_load %arg5[%get3A_271] {strides = array<i32>} : memref<512xi32, #tpu.memory_space<vmem>>, vector<16xi32>,
    %get3A_273 = vector.shape_cast %get3A_272 : vector<16xi32> to vector<16xi32>
    %add3A_274 = arith.constant 288 : i32
    %add3A_275 = arith.addi %mul3A_2, %add3A_274 : i32
    %add3A_276 = vector.broadcast %add3A_275 : i32 to vector<16xi32>
    %add3A_277 = arith.addi %add3A_276, %iota3A : vector<16xi32>
    %mul3A_278 = arith.constant 1000 : i32
    %mul3A_279 = vector.broadcast %mul3A_278 : i32 to vector<16xi32>
    %mul3A_280 = arith.muli %add3A_277, %mul3A_279 : vector<16xi32>
    %add3A_281 = arith.addi %mul3A_280, %get3A_273 : vector<16xi32>
    %swap3A_282 = arith.constant 288 : index
    %swap3A_283 = tpu.vector_load %arg6[%swap3A_282] {strides = array<i32>} : memref<512xi32, #tpu.memory_space<vmem>>, vector<16xi32>,
    %swap3A_284 = vector.shape_cast %swap3A_283 : vector<16xi32> to vector<16xi32>
    %swap3A_285 = vector.shape_cast %add3A_281 : vector<16xi32> to vector<16xi32>
    tpu.vector_store %arg6[%swap3A_282], %swap3A_285 {strides = array<i32>} : memref<512xi32, #tpu.memory_space<vmem>>, vector<16xi32>,
    %get3A_286 = arith.constant 304 : index
    %get3A_287 = tpu.vector_load %arg5[%get3A_286] {strides = array<i32>} : memref<512xi32, #tpu.memory_space<vmem>>, vector<16xi32>,
    %get3A_288 = vector.shape_cast %get3A_287 : vector<16xi32> to vector<16xi32>
    %add3A_289 = arith.constant 304 : i32
    %add3A_290 = arith.addi %mul3A_2, %add3A_289 : i32
    %add3A_291 = vector.broadcast %add3A_290 : i32 to vector<16xi32>
    %add3A_292 = arith.addi %add3A_291, %iota3A : vector<16xi32>
    %mul3A_293 = arith.constant 1000 : i32
    %mul3A_294 = vector.broadcast %mul3A_293 : i32 to vector<16xi32>
    %mul3A_295 = arith.muli %add3A_292, %mul3A_294 : vector<16xi32>
    %add3A_296 = arith.addi %mul3A_295, %get3A_288 : vector<16xi32>
    %swap3A_297 = arith.constant 304 : index
    %swap3A_298 = tpu.vector_load %arg6[%swap3A_297] {strides = array<i32>} : memref<512xi32, #tpu.memory_space<vmem>>, vector<16xi32>,
    %swap3A_299 = vector.shape_cast %swap3A_298 : vector<16xi32> to vector<16xi32>
    %swap3A_300 = vector.shape_cast %add3A_296 : vector<16xi32> to vector<16xi32>
    tpu.vector_store %arg6[%swap3A_297], %swap3A_300 {strides = array<i32>} : memref<512xi32, #tpu.memory_space<vmem>>, vector<16xi32>,
    %get3A_301 = arith.constant 320 : index
    %get3A_302 = tpu.vector_load %arg5[%get3A_301] {strides = array<i32>} : memref<512xi32, #tpu.memory_space<vmem>>, vector<16xi32>,
    %get3A_303 = vector.shape_cast %get3A_302 : vector<16xi32> to vector<16xi32>
    %add3A_304 = arith.constant 320 : i32
    %add3A_305 = arith.addi %mul3A_2, %add3A_304 : i32
    %add3A_306 = vector.broadcast %add3A_305 : i32 to vector<16xi32>
    %add3A_307 = arith.addi %add3A_306, %iota3A : vector<16xi32>
    %mul3A_308 = arith.constant 1000 : i32
    %mul3A_309 = vector.broadcast %mul3A_308 : i32 to vector<16xi32>
    %mul3A_310 = arith.muli %add3A_307, %mul3A_309 : vector<16xi32>
    %add3A_311 = arith.addi %mul3A_310, %get3A_303 : vector<16xi32>
    %swap3A_312 = arith.constant 320 : index
    %swap3A_313 = tpu.vector_load %arg6[%swap3A_312] {strides = array<i32>} : memref<512xi32, #tpu.memory_space<vmem>>, vector<16xi32>,
    %swap3A_314 = vector.shape_cast %swap3A_313 : vector<16xi32> to vector<16xi32>
    %swap3A_315 = vector.shape_cast %add3A_311 : vector<16xi32> to vector<16xi32>
    tpu.vector_store %arg6[%swap3A_312], %swap3A_315 {strides = array<i32>} : memref<512xi32, #tpu.memory_space<vmem>>, vector<16xi32>,
    %get3A_316 = arith.constant 336 : index
    %get3A_317 = tpu.vector_load %arg5[%get3A_316] {strides = array<i32>} : memref<512xi32, #tpu.memory_space<vmem>>, vector<16xi32>,
    %get3A_318 = vector.shape_cast %get3A_317 : vector<16xi32> to vector<16xi32>
    %add3A_319 = arith.constant 336 : i32
    %add3A_320 = arith.addi %mul3A_2, %add3A_319 : i32
    %add3A_321 = vector.broadcast %add3A_320 : i32 to vector<16xi32>
    %add3A_322 = arith.addi %add3A_321, %iota3A : vector<16xi32>
    %mul3A_323 = arith.constant 1000 : i32
    %mul3A_324 = vector.broadcast %mul3A_323 : i32 to vector<16xi32>
    %mul3A_325 = arith.muli %add3A_322, %mul3A_324 : vector<16xi32>
    %add3A_326 = arith.addi %mul3A_325, %get3A_318 : vector<16xi32>
    %swap3A_327 = arith.constant 336 : index
    %swap3A_328 = tpu.vector_load %arg6[%swap3A_327] {strides = array<i32>} : memref<512xi32, #tpu.memory_space<vmem>>, vector<16xi32>,
    %swap3A_329 = vector.shape_cast %swap3A_328 : vector<16xi32> to vector<16xi32>
    %swap3A_330 = vector.shape_cast %add3A_326 : vector<16xi32> to vector<16xi32>
    tpu.vector_store %arg6[%swap3A_327], %swap3A_330 {strides = array<i32>} : memref<512xi32, #tpu.memory_space<vmem>>, vector<16xi32>,
    %get3A_331 = arith.constant 352 : index
    %get3A_332 = tpu.vector_load %arg5[%get3A_331] {strides = array<i32>} : memref<512xi32, #tpu.memory_space<vmem>>, vector<16xi32>,
    %get3A_333 = vector.shape_cast %get3A_332 : vector<16xi32> to vector<16xi32>
    %add3A_334 = arith.constant 352 : i32
    %add3A_335 = arith.addi %mul3A_2, %add3A_334 : i32
    %add3A_336 = vector.broadcast %add3A_335 : i32 to vector<16xi32>
    %add3A_337 = arith.addi %add3A_336, %iota3A : vector<16xi32>
    %mul3A_338 = arith.constant 1000 : i32
    %mul3A_339 = vector.broadcast %mul3A_338 : i32 to vector<16xi32>
    %mul3A_340 = arith.muli %add3A_337, %mul3A_339 : vector<16xi32>
    %add3A_341 = arith.addi %mul3A_340, %get3A_333 : vector<16xi32>
    %swap3A_342 = arith.constant 352 : index
    %swap3A_343 = tpu.vector_load %arg6[%swap3A_342] {strides = array<i32>} : memref<512xi32, #tpu.memory_space<vmem>>, vector<16xi32>,
    %swap3A_344 = vector.shape_cast %swap3A_343 : vector<16xi32> to vector<16xi32>
    %swap3A_345 = vector.shape_cast %add3A_341 : vector<16xi32> to vector<16xi32>
    tpu.vector_store %arg6[%swap3A_342], %swap3A_345 {strides = array<i32>} : memref<512xi32, #tpu.memory_space<vmem>>, vector<16xi32>,
    %get3A_346 = arith.constant 368 : index
    %get3A_347 = tpu.vector_load %arg5[%get3A_346] {strides = array<i32>} : memref<512xi32, #tpu.memory_space<vmem>>, vector<16xi32>,
    %get3A_348 = vector.shape_cast %get3A_347 : vector<16xi32> to vector<16xi32>
    %add3A_349 = arith.constant 368 : i32
    %add3A_350 = arith.addi %mul3A_2, %add3A_349 : i32
    %add3A_351 = vector.broadcast %add3A_350 : i32 to vector<16xi32>
    %add3A_352 = arith.addi %add3A_351, %iota3A : vector<16xi32>
    %mul3A_353 = arith.constant 1000 : i32
    %mul3A_354 = vector.broadcast %mul3A_353 : i32 to vector<16xi32>
    %mul3A_355 = arith.muli %add3A_352, %mul3A_354 : vector<16xi32>
    %add3A_356 = arith.addi %mul3A_355, %get3A_348 : vector<16xi32>
    %swap3A_357 = arith.constant 368 : index
    %swap3A_358 = tpu.vector_load %arg6[%swap3A_357] {strides = array<i32>} : memref<512xi32, #tpu.memory_space<vmem>>, vector<16xi32>,
    %swap3A_359 = vector.shape_cast %swap3A_358 : vector<16xi32> to vector<16xi32>
    %swap3A_360 = vector.shape_cast %add3A_356 : vector<16xi32> to vector<16xi32>
    tpu.vector_store %arg6[%swap3A_357], %swap3A_360 {strides = array<i32>} : memref<512xi32, #tpu.memory_space<vmem>>, vector<16xi32>,
    %get3A_361 = arith.constant 384 : index
    %get3A_362 = tpu.vector_load %arg5[%get3A_361] {strides = array<i32>} : memref<512xi32, #tpu.memory_space<vmem>>, vector<16xi32>,
    %get3A_363 = vector.shape_cast %get3A_362 : vector<16xi32> to vector<16xi32>
    %add3A_364 = arith.constant 384 : i32
    %add3A_365 = arith.addi %mul3A_2, %add3A_364 : i32
    %add3A_366 = vector.broadcast %add3A_365 : i32 to vector<16xi32>
    %add3A_367 = arith.addi %add3A_366, %iota3A : vector<16xi32>
    %mul3A_368 = arith.constant 1000 : i32
    %mul3A_369 = vector.broadcast %mul3A_368 : i32 to vector<16xi32>
    %mul3A_370 = arith.muli %add3A_367, %mul3A_369 : vector<16xi32>
    %add3A_371 = arith.addi %mul3A_370, %get3A_363 : vector<16xi32>
    %swap3A_372 = arith.constant 384 : index
    %swap3A_373 = tpu.vector_load %arg6[%swap3A_372] {strides = array<i32>} : memref<512xi32, #tpu.memory_space<vmem>>, vector<16xi32>,
    %swap3A_374 = vector.shape_cast %swap3A_373 : vector<16xi32> to vector<16xi32>
    %swap3A_375 = vector.shape_cast %add3A_371 : vector<16xi32> to vector<16xi32>
    tpu.vector_store %arg6[%swap3A_372], %swap3A_375 {strides = array<i32>} : memref<512xi32, #tpu.memory_space<vmem>>, vector<16xi32>,
    %get3A_376 = arith.constant 400 : index
    %get3A_377 = tpu.vector_load %arg5[%get3A_376] {strides = array<i32>} : memref<512xi32, #tpu.memory_space<vmem>>, vector<16xi32>,
    %get3A_378 = vector.shape_cast %get3A_377 : vector<16xi32> to vector<16xi32>
    %add3A_379 = arith.constant 400 : i32
    %add3A_380 = arith.addi %mul3A_2, %add3A_379 : i32
    %add3A_381 = vector.broadcast %add3A_380 : i32 to vector<16xi32>
    %add3A_382 = arith.addi %add3A_381, %iota3A : vector<16xi32>
    %mul3A_383 = arith.constant 1000 : i32
    %mul3A_384 = vector.broadcast %mul3A_383 : i32 to vector<16xi32>
    %mul3A_385 = arith.muli %add3A_382, %mul3A_384 : vector<16xi32>
    %add3A_386 = arith.addi %mul3A_385, %get3A_378 : vector<16xi32>
    %swap3A_387 = arith.constant 400 : index
    %swap3A_388 = tpu.vector_load %arg6[%swap3A_387] {strides = array<i32>} : memref<512xi32, #tpu.memory_space<vmem>>, vector<16xi32>,
    %swap3A_389 = vector.shape_cast %swap3A_388 : vector<16xi32> to vector<16xi32>
    %swap3A_390 = vector.shape_cast %add3A_386 : vector<16xi32> to vector<16xi32>
    tpu.vector_store %arg6[%swap3A_387], %swap3A_390 {strides = array<i32>} : memref<512xi32, #tpu.memory_space<vmem>>, vector<16xi32>,
    %get3A_391 = arith.constant 416 : index
    %get3A_392 = tpu.vector_load %arg5[%get3A_391] {strides = array<i32>} : memref<512xi32, #tpu.memory_space<vmem>>, vector<16xi32>,
    %get3A_393 = vector.shape_cast %get3A_392 : vector<16xi32> to vector<16xi32>
    %add3A_394 = arith.constant 416 : i32
    %add3A_395 = arith.addi %mul3A_2, %add3A_394 : i32
    %add3A_396 = vector.broadcast %add3A_395 : i32 to vector<16xi32>
    %add3A_397 = arith.addi %add3A_396, %iota3A : vector<16xi32>
    %mul3A_398 = arith.constant 1000 : i32
    %mul3A_399 = vector.broadcast %mul3A_398 : i32 to vector<16xi32>
    %mul3A_400 = arith.muli %add3A_397, %mul3A_399 : vector<16xi32>
    %add3A_401 = arith.addi %mul3A_400, %get3A_393 : vector<16xi32>
    %swap3A_402 = arith.constant 416 : index
    %swap3A_403 = tpu.vector_load %arg6[%swap3A_402] {strides = array<i32>} : memref<512xi32, #tpu.memory_space<vmem>>, vector<16xi32>,
    %swap3A_404 = vector.shape_cast %swap3A_403 : vector<16xi32> to vector<16xi32>
    %swap3A_405 = vector.shape_cast %add3A_401 : vector<16xi32> to vector<16xi32>
    tpu.vector_store %arg6[%swap3A_402], %swap3A_405 {strides = array<i32>} : memref<512xi32, #tpu.memory_space<vmem>>, vector<16xi32>,
    %get3A_406 = arith.constant 432 : index
    %get3A_407 = tpu.vector_load %arg5[%get3A_406] {strides = array<i32>} : memref<512xi32, #tpu.memory_space<vmem>>, vector<16xi32>,
    %get3A_408 = vector.shape_cast %get3A_407 : vector<16xi32> to vector<16xi32>
    %add3A_409 = arith.constant 432 : i32
    %add3A_410 = arith.addi %mul3A_2, %add3A_409 : i32
    %add3A_411 = vector.broadcast %add3A_410 : i32 to vector<16xi32>
    %add3A_412 = arith.addi %add3A_411, %iota3A : vector<16xi32>
    %mul3A_413 = arith.constant 1000 : i32
    %mul3A_414 = vector.broadcast %mul3A_413 : i32 to vector<16xi32>
    %mul3A_415 = arith.muli %add3A_412, %mul3A_414 : vector<16xi32>
    %add3A_416 = arith.addi %mul3A_415, %get3A_408 : vector<16xi32>
    %swap3A_417 = arith.constant 432 : index
    %swap3A_418 = tpu.vector_load %arg6[%swap3A_417] {strides = array<i32>} : memref<512xi32, #tpu.memory_space<vmem>>, vector<16xi32>,
    %swap3A_419 = vector.shape_cast %swap3A_418 : vector<16xi32> to vector<16xi32>
    %swap3A_420 = vector.shape_cast %add3A_416 : vector<16xi32> to vector<16xi32>
    tpu.vector_store %arg6[%swap3A_417], %swap3A_420 {strides = array<i32>} : memref<512xi32, #tpu.memory_space<vmem>>, vector<16xi32>,
    %get3A_421 = arith.constant 448 : index
    %get3A_422 = tpu.vector_load %arg5[%get3A_421] {strides = array<i32>} : memref<512xi32, #tpu.memory_space<vmem>>, vector<16xi32>,
    %get3A_423 = vector.shape_cast %get3A_422 : vector<16xi32> to vector<16xi32>
    %add3A_424 = arith.constant 448 : i32
    %add3A_425 = arith.addi %mul3A_2, %add3A_424 : i32
    %add3A_426 = vector.broadcast %add3A_425 : i32 to vector<16xi32>
    %add3A_427 = arith.addi %add3A_426, %iota3A : vector<16xi32>
    %mul3A_428 = arith.constant 1000 : i32
    %mul3A_429 = vector.broadcast %mul3A_428 : i32 to vector<16xi32>
    %mul3A_430 = arith.muli %add3A_427, %mul3A_429 : vector<16xi32>
    %add3A_431 = arith.addi %mul3A_430, %get3A_423 : vector<16xi32>
    %swap3A_432 = arith.constant 448 : index
    %swap3A_433 = tpu.vector_load %arg6[%swap3A_432] {strides = array<i32>} : memref<512xi32, #tpu.memory_space<vmem>>, vector<16xi32>,
    %swap3A_434 = vector.shape_cast %swap3A_433 : vector<16xi32> to vector<16xi32>
    %swap3A_435 = vector.shape_cast %add3A_431 : vector<16xi32> to vector<16xi32>
    tpu.vector_store %arg6[%swap3A_432], %swap3A_435 {strides = array<i32>} : memref<512xi32, #tpu.memory_space<vmem>>, vector<16xi32>,
    %get3A_436 = arith.constant 464 : index
    %get3A_437 = tpu.vector_load %arg5[%get3A_436] {strides = array<i32>} : memref<512xi32, #tpu.memory_space<vmem>>, vector<16xi32>,
    %get3A_438 = vector.shape_cast %get3A_437 : vector<16xi32> to vector<16xi32>
    %add3A_439 = arith.constant 464 : i32
    %add3A_440 = arith.addi %mul3A_2, %add3A_439 : i32
    %add3A_441 = vector.broadcast %add3A_440 : i32 to vector<16xi32>
    %add3A_442 = arith.addi %add3A_441, %iota3A : vector<16xi32>
    %mul3A_443 = arith.constant 1000 : i32
    %mul3A_444 = vector.broadcast %mul3A_443 : i32 to vector<16xi32>
    %mul3A_445 = arith.muli %add3A_442, %mul3A_444 : vector<16xi32>
    %add3A_446 = arith.addi %mul3A_445, %get3A_438 : vector<16xi32>
    %swap3A_447 = arith.constant 464 : index
    %swap3A_448 = tpu.vector_load %arg6[%swap3A_447] {strides = array<i32>} : memref<512xi32, #tpu.memory_space<vmem>>, vector<16xi32>,
    %swap3A_449 = vector.shape_cast %swap3A_448 : vector<16xi32> to vector<16xi32>
    %swap3A_450 = vector.shape_cast %add3A_446 : vector<16xi32> to vector<16xi32>
    tpu.vector_store %arg6[%swap3A_447], %swap3A_450 {strides = array<i32>} : memref<512xi32, #tpu.memory_space<vmem>>, vector<16xi32>,
    %get3A_451 = arith.constant 480 : index
    %get3A_452 = tpu.vector_load %arg5[%get3A_451] {strides = array<i32>} : memref<512xi32, #tpu.memory_space<vmem>>, vector<16xi32>,
    %get3A_453 = vector.shape_cast %get3A_452 : vector<16xi32> to vector<16xi32>
    %add3A_454 = arith.constant 480 : i32
    %add3A_455 = arith.addi %mul3A_2, %add3A_454 : i32
    %add3A_456 = vector.broadcast %add3A_455 : i32 to vector<16xi32>
    %add3A_457 = arith.addi %add3A_456, %iota3A : vector<16xi32>
    %mul3A_458 = arith.constant 1000 : i32
    %mul3A_459 = vector.broadcast %mul3A_458 : i32 to vector<16xi32>
    %mul3A_460 = arith.muli %add3A_457, %mul3A_459 : vector<16xi32>
    %add3A_461 = arith.addi %mul3A_460, %get3A_453 : vector<16xi32>
    %swap3A_462 = arith.constant 480 : index
    %swap3A_463 = tpu.vector_load %arg6[%swap3A_462] {strides = array<i32>} : memref<512xi32, #tpu.memory_space<vmem>>, vector<16xi32>,
    %swap3A_464 = vector.shape_cast %swap3A_463 : vector<16xi32> to vector<16xi32>
    %swap3A_465 = vector.shape_cast %add3A_461 : vector<16xi32> to vector<16xi32>
    tpu.vector_store %arg6[%swap3A_462], %swap3A_465 {strides = array<i32>} : memref<512xi32, #tpu.memory_space<vmem>>, vector<16xi32>,
    %get3A_466 = arith.constant 496 : index
    %get3A_467 = tpu.vector_load %arg5[%get3A_466] {strides = array<i32>} : memref<512xi32, #tpu.memory_space<vmem>>, vector<16xi32>,
    %get3A_468 = vector.shape_cast %get3A_467 : vector<16xi32> to vector<16xi32>
    %add3A_469 = arith.constant 496 : i32
    %add3A_470 = arith.addi %mul3A_2, %add3A_469 : i32
    %add3A_471 = vector.broadcast %add3A_470 : i32 to vector<16xi32>
    %add3A_472 = arith.addi %add3A_471, %iota3A : vector<16xi32>
    %mul3A_473 = arith.constant 1000 : i32
    %mul3A_474 = vector.broadcast %mul3A_473 : i32 to vector<16xi32>
    %mul3A_475 = arith.muli %add3A_472, %mul3A_474 : vector<16xi32>
    %add3A_476 = arith.addi %mul3A_475, %get3A_468 : vector<16xi32>
    %swap3A_477 = arith.constant 496 : index
    %swap3A_478 = tpu.vector_load %arg6[%swap3A_477] {strides = array<i32>} : memref<512xi32, #tpu.memory_space<vmem>>, vector<16xi32>,
    %swap3A_479 = vector.shape_cast %swap3A_478 : vector<16xi32> to vector<16xi32>
    %swap3A_480 = vector.shape_cast %add3A_476 : vector<16xi32> to vector<16xi32>
    tpu.vector_store %arg6[%swap3A_477], %swap3A_480 {strides = array<i32>} : memref<512xi32, #tpu.memory_space<vmem>>, vector<16xi32>,
    %dma_start3A = arith.constant 0 : i32
    %dma_start3A_481 = tpu.memref_slice %arg2[%dma_start3A] : memref<16384000xf32, #tpu.memory_space<hbm>> -> memref<16384000xf32, #tpu.memory_space<hbm>>
    tpu.enqueue_indirect_dma source(%dma_start3A_481 : memref<16384000xf32, #tpu.memory_space<hbm>>) target(%arg7 : memref<512xf32, #tpu.memory_space<vmem>>) offsets(%arg6 : memref<512xi32, #tpu.memory_space<vmem>>) semaphore(%arg8 : memref<!tpu.dma_semaphore, #tpu.memory_space<semaphore_mem>>)
    %dma_wait3A = arith.constant 0 : i32
    %dma_wait3A_482 = tpu.memref_slice %arg2[%dma_wait3A] : memref<16384000xf32, #tpu.memory_space<hbm>> -> memref<16384000xf32, #tpu.memory_space<hbm>>
    tpu.wait_indirect_dma semaphore(%arg8 : memref<!tpu.dma_semaphore, #tpu.memory_space<semaphore_mem>>) src(%dma_wait3A_482 : memref<16384000xf32, #tpu.memory_space<hbm>>) dst(%arg7 : memref<512xf32, #tpu.memory_space<vmem>>)
    "tpu.region"() ({
      %run_scoped3A = tpu.sem_alloc : memref<!tpu.dma_semaphore, #tpu.memory_space<semaphore_mem>>
      %dma_start3A_483 = tpu.memref_slice %arg4[%mul3A_2] : memref<16384xf32, #tpu.memory_space<hbm>> -> memref<512xf32, #tpu.memory_space<hbm>>
      %dma_start3A_484 = tpu.memref_slice %arg4[%mul3A_2] : memref<16384xf32, #tpu.memory_space<hbm>> -> memref<512xf32, #tpu.memory_space<hbm>>
      tpu.enqueue_dma source(%arg7 : memref<512xf32, #tpu.memory_space<vmem>>) target(%dma_start3A_484 : memref<512xf32, #tpu.memory_space<hbm>>) target_semaphore(%run_scoped3A : memref<!tpu.dma_semaphore, #tpu.memory_space<semaphore_mem>>)
      %dma_wait3A_485 = tpu.memref_slice %arg4[%mul3A_2] : memref<16384xf32, #tpu.memory_space<hbm>> -> memref<512xf32, #tpu.memory_space<hbm>>
      %dma_wait3A_486 = tpu.memref_slice %arg4[%mul3A_2] : memref<16384xf32, #tpu.memory_space<hbm>> -> memref<512xf32, #tpu.memory_space<hbm>>
      tpu.wait_dma2 semaphore(%run_scoped3A : memref<!tpu.dma_semaphore, #tpu.memory_space<semaphore_mem>>) src(%arg7 : memref<512xf32, #tpu.memory_space<vmem>>) dst(%dma_wait3A_486 : memref<512xf32, #tpu.memory_space<hbm>>)
      tpu.yield
    }) : () -> ()
    return
  }
}

module attributes {stable_mosaic.version = 14 : i64} {
  func.func @_rows_body(%arg0: i32, %arg1: memref<2048x1000xf32, #tpu.memory_space<vmem>>, %arg2: memref<2048x1xi32, #tpu.memory_space<vmem>>, %arg3: memref<2048xf32, #tpu.memory_space<vmem>>, %arg4: memref<2048xf32, #tpu.memory_space<vmem>>, %arg5: memref<2048xf32, #tpu.memory_space<vmem>>) attributes {dimension_semantics = [#tpu.dimension_semantics<arbitrary>], iteration_bounds = array<i64: 8>, scalar_prefetch = 0 : i64, scratch_operands = 0 : i64, tpu.core_type = #tpu.core_type<tc>, window_params = [{transform_indices = @transform_0, window_bounds = array<i64: 2048, 1000>}, {transform_indices = @transform_1, window_bounds = array<i64: 2048, 1>}, {transform_indices = @transform_2, window_bounds = array<i64: 2048>}, {transform_indices = @transform_3, window_bounds = array<i64: 2048>}, {transform_indices = @transform_4, window_bounds = array<i64: 2048>}]} {
    %get3A = arith.constant 0 : index
    %get3A_0 = arith.constant 0 : index
    %get3A_1 = vector.load %arg1[%get3A, %get3A_0] : memref<2048x1000xf32, #tpu.memory_space<vmem>>, vector<2048x1000xf32>
    %get3A_2 = arith.constant 0 : index
    %get3A_3 = arith.constant 0 : index
    %get3A_4 = vector.load %arg2[%get3A_2, %get3A_3] : memref<2048x1xi32, #tpu.memory_space<vmem>>, vector<2048x1xi32>
    %reduce_max3A = arith.constant dense<0xFF800000> : vector<2048xf32>
    %reduce_max3A_5 = vector.multi_reduction <maximumf>, %get3A_1, %reduce_max3A [1] : vector<2048x1000xf32> to vector<2048xf32>
    %broadcast_in_dim3A = vector.shape_cast %reduce_max3A_5 : vector<2048xf32> to vector<2048x1xf32>
    %sub3A = vector.broadcast %broadcast_in_dim3A : vector<2048x1xf32> to vector<2048x1000xf32>
    %sub3A_6 = arith.subf %get3A_1, %sub3A : vector<2048x1000xf32>
    %exp3A = math.exp %sub3A_6 : vector<2048x1000xf32>
    %reduce_sum3A = arith.constant dense<0.000000e+00> : vector<2048xf32>
    %reduce_sum3A_7 = vector.multi_reduction <add>, %exp3A, %reduce_sum3A [1] : vector<2048x1000xf32> to vector<2048xf32>
    %broadcast_in_dim3A_8 = vector.shape_cast %reduce_sum3A_7 : vector<2048xf32> to vector<2048x1xf32>
    %iota3A = tpu.iota {dimensions = array<i32: 1>} : vector<2048x1000xi32>
    %eq3A = vector.broadcast %get3A_4 : vector<2048x1xi32> to vector<2048x1000xi32>
    %eq3A_9 = arith.cmpi eq, %iota3A, %eq3A : vector<2048x1000xi32>
    %jit3A = arith.constant 0.000000e+00 : f32
    %broadcast_in_dim3A_10 = vector.broadcast %jit3A : f32 to vector<2048x1000xf32>
    %select_n3A = arith.select %eq3A_9, %get3A_1, %broadcast_in_dim3A_10 : vector<2048x1000xi1>, vector<2048x1000xf32>
    %reduce_sum3A_11 = arith.constant dense<0.000000e+00> : vector<2048xf32>
    %reduce_sum3A_12 = vector.multi_reduction <add>, %select_n3A, %reduce_sum3A_11 [1] : vector<2048x1000xf32> to vector<2048xf32>
    %broadcast_in_dim3A_13 = vector.shape_cast %reduce_sum3A_12 : vector<2048xf32> to vector<2048x1xf32>
    %reshape3A = vector.shape_cast %broadcast_in_dim3A : vector<2048x1xf32> to vector<2048xf32>
    %swap3A = arith.constant 0 : index
    %swap3A_14 = vector.load %arg3[%swap3A] : memref<2048xf32, #tpu.memory_space<vmem>>, vector<2048xf32>
    tpu.vector_store %arg3[%swap3A], %reshape3A {strides = array<i32>} : memref<2048xf32, #tpu.memory_space<vmem>>, vector<2048xf32>,
    %reshape3A_15 = vector.shape_cast %broadcast_in_dim3A_8 : vector<2048x1xf32> to vector<2048xf32>
    %swap3A_16 = arith.constant 0 : index
    %swap3A_17 = vector.load %arg4[%swap3A_16] : memref<2048xf32, #tpu.memory_space<vmem>>, vector<2048xf32>
    tpu.vector_store %arg4[%swap3A_16], %reshape3A_15 {strides = array<i32>} : memref<2048xf32, #tpu.memory_space<vmem>>, vector<2048xf32>,
    %reshape3A_18 = vector.shape_cast %broadcast_in_dim3A_13 : vector<2048x1xf32> to vector<2048xf32>
    %swap3A_19 = arith.constant 0 : index
    %swap3A_20 = vector.load %arg5[%swap3A_19] : memref<2048xf32, #tpu.memory_space<vmem>>, vector<2048xf32>
    tpu.vector_store %arg5[%swap3A_19], %reshape3A_18 {strides = array<i32>} : memref<2048xf32, #tpu.memory_space<vmem>>, vector<2048xf32>,
    return
  }
  func.func @transform_0(%arg0: i32) -> (i32, i32) {
    %c0_i32 = arith.constant 0 : i32
    %c0_i32_0 = arith.constant 0 : i32
    return %arg0, %c0_i32 : i32, i32
  }
  func.func @transform_1(%arg0: i32) -> (i32, i32) {
    %c0_i32 = arith.constant 0 : i32
    %c0_i32_0 = arith.constant 0 : i32
    return %arg0, %c0_i32 : i32, i32
  }
  func.func @transform_2(%arg0: i32) -> i32 {
    %c0_i32 = arith.constant 0 : i32
    return %arg0 : i32
  }
  func.func @transform_3(%arg0: i32) -> i32 {
    %c0_i32 = arith.constant 0 : i32
    return %arg0 : i32
  }
  func.func @transform_4(%arg0: i32) -> i32 {
    %c0_i32 = arith.constant 0 : i32
    return %arg0 : i32
  }
}

module attributes {stable_mosaic.version = 14 : i64} {
  func.func @_combine_body(%arg0: memref<16384xf32, #tpu.memory_space<vmem>>, %arg1: memref<16384xf32, #tpu.memory_space<vmem>>, %arg2: memref<16384xf32, #tpu.memory_space<vmem>>, %arg3: memref<16384xf32, #tpu.memory_space<vmem>>, %arg4: memref<1x1xf32, #tpu.memory_space<vmem>>) attributes {dimension_semantics = [], scalar_prefetch = 0 : i64, scratch_operands = 0 : i64, tpu.core_type = #tpu.core_type<tc>} {
    %get3A = arith.constant 0 : index
    %get3A_0 = vector.load %arg0[%get3A] : memref<16384xf32, #tpu.memory_space<vmem>>, vector<16384xf32>
    %get3A_1 = arith.constant 0 : index
    %get3A_2 = vector.load %arg1[%get3A_1] : memref<16384xf32, #tpu.memory_space<vmem>>, vector<16384xf32>
    %get3A_3 = arith.constant 0 : index
    %get3A_4 = vector.load %arg2[%get3A_3] : memref<16384xf32, #tpu.memory_space<vmem>>, vector<16384xf32>
    %get3A_5 = arith.constant 0 : index
    %get3A_6 = vector.load %arg3[%get3A_5] : memref<16384xf32, #tpu.memory_space<vmem>>, vector<16384xf32>
    %mul3A = arith.constant 7.327960e-04 : f32
    %mul3A_7 = vector.broadcast %mul3A : f32 to vector<16384xf32>
    %mul3A_8 = arith.mulf %get3A_4, %mul3A_7 : vector<16384xf32>
    %sub3A = arith.subf %get3A_4, %mul3A_8 : vector<16384xf32>
    %mul3A_9 = arith.constant 7.327960e-04 : f32
    %mul3A_10 = vector.broadcast %mul3A_9 : f32 to vector<16384xf32>
    %mul3A_11 = arith.mulf %get3A_6, %mul3A_10 : vector<16384xf32>
    %add3A = arith.addf %sub3A, %mul3A_11 : vector<16384xf32>
    %max3A = arith.maximumf %get3A_0, %add3A : vector<16384xf32>
    %sub3A_12 = arith.subf %get3A_0, %max3A : vector<16384xf32>
    %exp3A = math.exp %sub3A_12 : vector<16384xf32>
    %mul3A_13 = arith.mulf %get3A_2, %exp3A : vector<16384xf32>
    %sub3A_14 = arith.subf %get3A_4, %max3A : vector<16384xf32>
    %exp3A_15 = math.exp %sub3A_14 : vector<16384xf32>
    %sub3A_16 = arith.subf %mul3A_13, %exp3A_15 : vector<16384xf32>
    %sub3A_17 = arith.subf %add3A, %max3A : vector<16384xf32>
    %exp3A_18 = math.exp %sub3A_17 : vector<16384xf32>
    %add3A_19 = arith.addf %sub3A_16, %exp3A_18 : vector<16384xf32>
    %log3A = math.log %add3A_19 : vector<16384xf32>
    %add3A_20 = arith.addf %max3A, %log3A : vector<16384xf32>
    %sub3A_21 = arith.subf %add3A_20, %add3A : vector<16384xf32>
    %reduce_sum3A = vector.shape_cast %sub3A_21 : vector<16384xf32> to vector<1x16384xf32>
    %reduce_sum3A_22 = arith.constant dense<0.000000e+00> : vector<1xf32>
    %reduce_sum3A_23 = vector.multi_reduction <add>, %reduce_sum3A, %reduce_sum3A_22 [1] : vector<1x16384xf32> to vector<1xf32>
    %reduce_sum3A_24 = vector.shape_cast %reduce_sum3A_23 : vector<1xf32> to vector<1x1xf32>
    %reduce_sum3A_25 = vector.extract %reduce_sum3A_24[0, 0] : f32 from vector<1x1xf32>
    %mul3A_26 = arith.constant 6.10351563E-5 : f32
    %mul3A_27 = arith.mulf %reduce_sum3A_25, %mul3A_26 : f32
    %reshape3A = vector.broadcast %mul3A_27 : f32 to vector<1x1xf32>
    %swap3A = arith.constant 0 : index
    %swap3A_28 = arith.constant 0 : index
    %swap3A_29 = vector.load %arg4[%swap3A, %swap3A_28] : memref<1x1xf32, #tpu.memory_space<vmem>>, vector<1x1xf32>
    tpu.vector_store %arg4[%swap3A, %swap3A_28], %reshape3A {strides = array<i32>} : memref<1x1xf32, #tpu.memory_space<vmem>>, vector<1x1xf32>,
    return
  }
}

</mosaic_0001>

<sc_bundles>
// kernel: kernel.5.cloned.1.call-start
scs
__scs_entry_jumppad:
0x0: {  	(pc) =	sbr.rel $0x88, $3  }
0x1: {  	(tag) =	ssettag $0x0;
	lr =	simm.s32 $0x1  }
0x2: {  	[smem:$0x3F9E] =	sst lr;
	_ =	strace $0xD0000000  }
0x3: {  	_ = 	snop  }
0x4: {  	_ = 	snop  }
0x5: {  	_ = 	snop  }
0x6: {  	_ = 	snop  }
0x7: {  	_ = 	snop  }
__scs_overlays_trampoline_lowered:
0x8: {  	[smem:$0x3FAD] =	sst s0  }
0x9: {  	[smem:$0x3FAE] =	sst s1  }
0xa: {  	[smem:$0x3FAF] =	sst s2  }
0xb: {  	[smem:$0x3FB0] =	sst s3  }
0xc: {  	[smem:$0x3FB1] =	sst s4  }
0xd: {  	[smem:$0x3FB2] =	sst s5  }
0xe: {  	[smem:$0x3FB3] =	sst s6  }
0xf: {  	[smem:$0x3FB4] =	sst s7  }
0x10: {  	[smem:$0x3FB5] =	sst s8  }
0x11: {  	[smem:$0x3FB6] =	sst s9;
	s0 =	simm.s32 @!p0 $0x0  }
0x12: {  	s1 =	sld [smem:$0x3F9C];
	s0 =	simm.s32 @p0 $0x1  }
0x13: {  	[smem:$0x3FB7] =	sst s0;
	s0 =	simm.s32 @!p1 $0x0  }
0x14: {  	s2 =	sld [smem:$0x3F9B];
	s0 =	simm.s32 @p1 $0x1  }
0x15: {  	[smem:$0x3FB8] =	sst s0;
	s0 =	simm.s32 @!p2 $0x0  }
0x16: {  	s3 =	sld [smem:$0x3FDB];
	s0 =	simm.s32 @p2 $0x1  }
0x17: {  	s4 =	simm.s32 $0x1BF5;
	[smem:$0x3FBA] =	sst s0  }
0x18: {  	s0 =	sld [smem:$0x3F9D];
	_ =	swait.ge [sflag:s4], $0x0  }
0x19: {  	s7 =	sld [smem:$0x3F9E]  }
0x1a: {  	s8 =	sadd.s32 $0xFFFFE003, lr  }
0x1b: {  	s9 =	sadd.s32 $0xFFFFFEF7, lr;
	s5 =	simm.s32 $0xFFFFFFFF;
	p2 =	slt.u32 s8, $0xFFFFF086  }
0x1c: {  	p1 =	slt.u32 s9, $0xF7A;
	s5 =	simm.s32 @!p2 $0x0  }
0x1d: {  	s5 =	simm.s32 @p1 $0x1;
	p0 =	seq.s32 s7, s2  }
0x1e: {  	s7 =	smul.u32 @!p0 $0xF7A, s2;
	p2 =	seq.s32 @!p0 s5, $0x0  }
0x1f: {  	s9 =	smul.u32 $0xF7A, s1;
	s8 =	simm.s32 @!p0 $0x1BF5;
	p2 =	por !p2, p0  }
0x20: {  	[sflag:s8] =	ssyncset.s32 @!p0 $0xFFFFF086;
	s6 =	sadd.s32 @!p0 s3, s7;
	s7 =	simm.s32 @!p0 $0x108  }
0x21: {  	s3 =	sadd.s32 s3, s9;
	s6 =	sadd.s32 @!p0 $0x88, s6;
	s7 =	simm.s32 @p2 $0x1082  }
0x22: {  	[simem:s7], [sflag:s8] =	dma.local @!p0 [hbm:s6], $0xF7A  }
0x23: {  	s9 =	sor.u32 $0xD0000000, s2;
	s6 =	simm.s32 $0x108;
	_ =	swait.ge @!p0 [sflag:s8], $0x0  }
0x24: {  	s3 =	sadd.s32 $0x88, s3;
	s6 =	simm.s32 @!p1 $0x1082;
	[sflag:s4] =	ssyncset.s32 $0xFFFFF086  }
0x25: {  	[simem:s6], [sflag:s4] =	dma.local [hbm:s3], $0xF7A  }
0x26: {  	[smem:$0x3F9E] =	sst s1;
	(tag) =	ssettag s2;
	_ =	strace s9  }
0x27: {  	s1 =	sld [smem:$0x3FAE]  }
0x28: {  	s2 =	sld [smem:$0x3FAF]  }
0x29: {  	s4 =	sld [smem:$0x3FB1]  }
0x2a: {  	p0 =	seq.s32 s5, $0x0;
	s5 =	sld [smem:$0x3FB2]  }
0x2b: {  	s6 =	sld [smem:$0x3FB3]  }
0x2c: {  	s7 =	sld [smem:$0x3FB4]  }
0x2d: {  	s3 =	simm.s32 $0x108;
	s8 =	sld [smem:$0x3FB5]  }
0x2e: {  	s3 =	simm.s32 @!p0 $0x1082;
	s9 =	sld [smem:$0x3FB6]  }
0x2f: {  	lr =	sadd.s32 s0, s3;
	s0 =	sld [smem:$0x3FAD]  }
0x30: {  	s3 =	sld [smem:$0x3FB0]  }
0x31: {  	[smem:$0x3FB9] =	sst s10  }
0x32: {  	s10 =	sld [smem:$0x3FB7];
	_ =	sdelay $0x3  }
0x33: {  	p0 =	seq.s32 s10, $0x1;
	s10 =	sld [smem:$0x3FB9];
	_ =	sdelay $0x3  }
0x34: {  	[smem:$0x3FB9] =	sst s10  }
0x35: {  	s10 =	sld [smem:$0x3FB8];
	_ =	sdelay $0x3  }
0x36: {  	p1 =	seq.s32 s10, $0x1;
	s10 =	sld [smem:$0x3FB9];
	_ =	sdelay $0x3  }
0x37: {  	[smem:$0x3FB9] =	sst s10  }
0x38: {  	s10 =	sld [smem:$0x3FBA]  }
0x39: {  	_ = 	snop;
	(pc) =	sbr.ind lr, $3  }
0x3a: {  	_ = 	snop  }
0x3b: {  	_ = 	snop  }
0x3c: {  	p2 =	seq.s32 s10, $0x1;
	s10 =	sld [smem:$0x3FB9]  }
0x3d: {  	_ =	shalt  }
0x3e: {  	_ =	shalt  }
0x3f: {  	_ =	shalt  }
0x40: {  	_ =	shalt  }
0x41: {  	_ =	shalt  }
0x42: {  	_ =	shalt  }
0x43: {  	_ =	shalt  }
0x44: {  	_ =	shalt  }
0x45: {  	_ =	shalt  }
0x46: {  	_ =	shalt  }
0x47: {  	_ =	shalt  }
0x48: {  	_ =	shalt  }
0x49: {  	_ =	shalt  }
0x4a: {  	_ =	shalt  }
0x4b: {  	_ =	shalt  }
0x4c: {  	_ =	shalt  }
0x4d: {  	_ =	shalt  }
0x4e: {  	_ =	shalt  }
0x4f: {  	_ =	shalt  }
0x50: {  	_ =	shalt  }
0x51: {  	_ =	shalt  }
0x52: {  	_ =	shalt  }
0x53: {  	_ =	shalt  }
0x54: {  	_ =	shalt  }
0x55: {  	_ =	shalt  }
0x56: {  	_ =	shalt  }
0x57: {  	_ =	shalt  }
0x58: {  	_ =	shalt  }
0x59: {  	_ =	shalt  }
0x5a: {  	_ =	shalt  }
0x5b: {  	_ =	shalt  }
0x5c: {  	_ =	shalt  }
0x5d: {  	_ =	shalt  }
0x5e: {  	_ =	shalt  }
0x5f: {  	_ =	shalt  }
0x60: {  	_ =	shalt  }
0x61: {  	_ =	shalt  }
0x62: {  	_ =	shalt  }
0x63: {  	_ =	shalt  }
0x64: {  	_ =	shalt  }
0x65: {  	_ =	shalt  }
0x66: {  	_ =	shalt  }
0x67: {  	_ =	shalt  }
0x68: {  	_ =	shalt  }
0x69: {  	_ =	shalt  }
0x6a: {  	_ =	shalt  }
0x6b: {  	_ =	shalt  }
0x6c: {  	_ =	shalt  }
0x6d: {  	_ =	shalt  }
0x6e: {  	_ =	shalt  }
0x6f: {  	_ =	shalt  }
0x70: {  	_ =	shalt  }
0x71: {  	_ =	shalt  }
0x72: {  	_ =	shalt  }
0x73: {  	_ =	shalt  }
0x74: {  	_ =	shalt  }
0x75: {  	_ =	shalt  }
0x76: {  	_ =	shalt  }
0x77: {  	_ =	shalt  }
0x78: {  	_ =	shalt  }
0x79: {  	_ =	shalt  }
0x7a: {  	_ =	shalt  }
0x7b: {  	_ =	shalt  }
0x7c: {  	_ =	shalt  }
0x7d: {  	_ =	shalt  }
0x7e: {  	_ =	shalt  }
0x7f: {  	_ =	shalt  }
0x80: {  	_ =	shalt  }
0x81: {  	_ =	shalt  }
0x82: {  	_ =	shalt  }
0x83: {  	_ =	shalt  }
0x84: {  	_ =	shalt  }
0x85: {  	_ =	shalt  }
0x86: {  	_ =	shalt  }
0x87: {  	_ =	shalt  }
.Lfunc_end0:
.L_simem_size_0:
called_computation_lowered:
.L_overlay_start_0:
0x88: {  	s2 =	sld [smem:$0x3FD9]  }
0x89: {  	s3 =	sld [smem:$0x3FFE];
	_ =	sdelay $0x1  }
0x8a: {  	s1 =	srdreg.scid  }
0x8b: {  	s0 =	sand.u32 $0x1, s1  }
0x8c: {  	s17 =	sshll.u32 s0, $0xA;
	s2 =	sadd.s32 s3, s2  }
0x8d: {  	s2 =	sadd.s32 s2, s17  }
0x8e: {  	[smem:$0x3FC5] =	sst s2  }
0x8f: {  	_ = 	snop  }
0x90: {  	s2 =	sld [smem:$0x3FC7];
	(tm) =	ssettm $0x1  }
0x91: {  	s18 =	sld [smem:$0x3FFB];
	_ =	sdelay $0x3  }
0x92: {  	_ =	strace s18  }
0x93: {  	s3 =	sld [smem:$0x3FFC];
	_ =	sdelay $0x3  }
0x94: {  	_ =	strace s3  }
0x95: {  	s3 =	sld [smem:$0x3FFD];
	_ =	sdelay $0x3  }
0x96: {  	_ =	strace s3  }
0x97: {  	_ =	strace $0x8FFFFFFF  }
0x98: {  	s19 =	sld [smem:$0x3FDB];
	_ =	sdelay $0x1  }
0x99: {  	s4 =	simm.s32 $_scs_section_size  }
0x9a: {  	s5 =	simm.s32 $_size__tile_overlayer_lowered;
	s6 =	simm.s32 $_tile_overlayer_lowered  }
0x9b: {  	s22 =	simm.s32 $0x1BFF;
	s21 =	sshll.u32 s6, $0x1;
	s3 =	sadd.s32 s4, s19  }
0x9c: {  	s7 =	simm.s32 $0x0;
	s20 =	sshll.u32 s5, $0x1;
	s5 =	sadd.s32 s21, s3  }
0x9d: {  	[timem:s7], [sflag:s22] =	dma.local [hbm:s5], s20  }
0x9e: {  	_ =	swait.ge [sflag:s22], s20  }
0x9f: {  	s4 =	ssub.s32 $0x0, s20;
	[sflag:s22] =	ssyncset.done $0x0  }
0xa0: {  	[sflag:s22] =	ssyncadd.s32 s4;
	_ =	sdelay $0x1  }
0xa1: {  	s23 =	simm.s32 $0x1B8B  }
0xa2: {  	_ =	swait.ge [sflag:s23], $0x1  }
0xa3: {  	[sflag:s23] =	ssyncset.done $0x0  }
0xa4: {  	s25 =	simm.s32 $0x1B8E;
	s24 =	sld [smem:$0x3FFE];
	[sflag:s23] =	ssyncadd.s32 $0xFFFFFFFF  }
0xa5: {  	s26 =	simm.s32 $execute0_lowered;
	[smem:$0x3FD2] =	sst s25  }
0xa6: {  	s5 =	sshll.u32 s26, $0x1;
	_ =	strace $0x80000046;
	[dreg:$0x1] =	wrdreg $0xFFFFFFFF  }
0xa7: {  	s28 =	simm.s32 $_size_execute0_lowered;
	s3 =	sadd.s32 s3, s5;
	[dreg:$0x0] =	wrdreg $0x0  }
0xa8: {  	s5 =	sshll.u32 s28, $0x1;
	[dreg:$0x2] =	wrdreg s3  }
0xa9: {  	[dreg:$0x3] =	wrdreg s5  }
0xaa: {  	[dreg:$0x4] =	wrdreg $0xC0  }
0xab: {  	_ =	task [dreg:s7], $0x5FFFF  }
0xac: {  	[dreg:$0x1] =	wrdreg $0xFFFFFFFF  }
0xad: {  	[dreg:$0x0] =	wrdreg $0x60  }
0xae: {  	[dreg:$0x2] =	wrdreg s24  }
0xaf: {  	[dreg:$0x3] =	wrdreg s2  }
0xb0: {  	[dreg:$0x4] =	wrdreg $0x9  }
0xb1: {  	_ =	task.clear_ibuf [dreg:s7], $0x5FFFF;
	_ =	strace $0x90000046  }
0xb2: {  	s29 =	simm.s32 $0x9;
	_ =	strace $0x80000048  }
0xb3: {  	_ =	swait.ge [sflag:s29], $0x1  }
0xb4: {  	[sflag:s29] =	ssyncadd.s32 $0xFFFFFFFF  }
0xb5: {  	_ =	strace $0x90000048  }
0xb6: {  	_ =	sfence  }
0xb7: {  	s30 =	sld [smem:$0x0];
	_ =	sdelay $0x2  }
0xb8: {  	s31 =	sshll.u32 s1, $0xD;
	s1 =	sshrl.u32 s1, $0x2  }
0xb9: {  	s3 =	sand.u32 $0x4000, s31;
	s1 =	sadd.s32 s1, s30  }
0xba: {  	s0 =	sor.u32 s3, s0;
	s1 =	sshll.u32 s1, $0x11  }
0xbb: {  	s0 =	sor.u32 s1, s0  }
0xbc: {  	s0 =	sadd.s32 $0x8F2B, s0  }
0xbd: {  	[sflag:s0] =	ssyncadd.remote.s32 $0x1  }
0xbe: {  	_ =	sfence.sel $0xFFFF  }
0xbf: {  	[dreg:$0x0] =	wrdreg $0xFFFFFFFF;
	(pc) =	sbr.abs _section_cstart, $3  }
0xc0: {  	[dreg:$0x1] =	wrdreg $0xFFFFFFFF  }
0xc1: {  	_ =	task.clear_ibuf [dreg:s7], $0x2FFFF;
	_ =	strace $0x9FFFFFFF  }
0xc2: {  	(tm) =	ssettm $0x7FFFFFFF  }
0xc3: {  	_ =	shalt  }
tec
execute0_lowered:
.L_overlay_start_1:
0x0: {  	(tag) =	ssettag $0x1  }
0x1: {  	s1 =	srdreg.scid  }
0x2: {  	s0 =	stileid.u32;
	s3 =	sand.u32 $0x1, s1  }
0x3: {  	s29 =	sshll.u32 s0, $0xA;
	s2 =	sshll.u32 s3, $0x9  }
0x4: {  	s4 =	sor.u32 s2, s29  }
0x5: {  	v3 =	vlaneseq.u32;
	s1 =	sor.u32 $0x10, s4  }
0x6: {  	v28 =	vmul.u32 $0x3E8, v3;
	v0 =	vmov s4;
	s30 =	sor.u32 $0x20, s4;
	s2 =	sor.u32 $0x40, s4;
	v1 =	vmov s1  }
0x7: {  	s5 =	sor.u32 $0x50, s4;
	s8 =	sor.u32 $0x80, s4;
	s11 =	sor.u32 $0xB0, s4;
	v0 =	vmul.u32 $0x3E8, v0;
	v2 =	vmov s30;
	v3 =	vmov s2  }
0x8: {  	s14 =	sor.u32 $0xE0, s4;
	s19 =	sor.u32 $0x130, s4;
	s20 =	sor.u32 $0x140, s4;
	v7 =	vmov s5;
	v8 =	vmov s8;
	v12 =	vmov s11  }
0x9: {  	s22 =	sor.u32 $0x160, s4;
	s23 =	sor.u32 $0x170, s4;
	s25 =	sor.u32 $0x190, s4;
	v16 =	vmov s14;
	v19 =	vmov s19;
	v20 =	vmov s20  }
0xa: {  	s26 =	sor.u32 $0x1A0, s4;
	s28 =	sor.u32 $0x1D0, s4;
	v21 =	vmov s22;
	v24 =	vmov s23;
	v25 =	vmov s25  }
0xb: {  	s29 =	sor.u32 $0x1E0, s4;
	v27 =	vmov s26;
	v29 =	vmov s28;
	v2 =	vmul.u32 $0x3E8, v2  }
0xc: {  	s31 =	sor.u32 $0x30, s4;
	v31 =	vmov s29;
	v1 =	vmul.u32 $0x3E8, v1;
	v6 =	vmul.u32 $0x3E8, v3  }
0xd: {  	v0 =	vbroadcast v0, $0x0;
	v4 =	vbroadcast v2, $0x0;
	v2 =	vmov s31  }
0xe: {  	s7 =	sor.u32 $0x70, s4;
	v19 =	vmul.u32 $0x3E8, v19;
	v1 =	vbroadcast v1, $0x0;
	v5 =	vmul.u32 $0x3E8, v2  }
0xf: {  	v3 =	vadd.s32 v28, v0;
	v0 =	vmul.u32 $0x3E8, v7;
	v7 =	vmov s7  }
0x10: {  	s6 =	sor.u32 $0x60, s4;
	v2 =	vadd.s32 v28, v1;
	v1 =	vadd.s32 v28, v4;
	v4 =	vbroadcast v5, $0x0  }
0x11: {  	v5 =	vbroadcast v6, $0x0;
	v6 =	vbroadcast v0, $0x0;
	v0 =	vmov s6  }
0x12: {  	v21 =	vmul.u32 $0x3E8, v21;
	v7 =	vmul.u32 $0x3E8, v7;
	v9 =	vmul.u32 $0x3E8, v0  }
0x13: {  	s9 =	sor.u32 $0x90, s4;
	v0 =	vadd.s32 v28, v4;
	v11 =	vadd.s32 v28, v5;
	v4 =	vmul.u32 $0x3E8, v8  }
0x14: {  	s10 =	sor.u32 $0xA0, s4;
	v8 =	vadd.s32 v28, v6;
	v6 =	vbroadcast v7, $0x0;
	v7 =	vmov s9  }
0x15: {  	v5 =	vbroadcast v9, $0x0;
	v9 =	vmov s10;
	v7 =	vmul.u32 $0x3E8, v7  }
0x16: {  	s13 =	sor.u32 $0xD0, s4;
	v4 =	vbroadcast v4, $0x0;
	v10 =	vmul.u32 $0x3E8, v9;
	v9 =	vadd.s32 v28, v6  }
0x17: {  	v6 =	vmul.u32 $0x3E8, v12;
	v12 =	vmov s13;
	v14 =	vadd.s32 v28, v5  }
0x18: {  	s12 =	sor.u32 $0xC0, s4;
	v13 =	vmul.u32 $0x3E8, v12;
	v5 =	vadd.s32 v28, v4;
	v4 =	vbroadcast v7, $0x0  }
0x19: {  	v7 =	vbroadcast v10, $0x0;
	v6 =	vbroadcast v6, $0x0;
	v10 =	vmov s12  }
0x1a: {  	s16 =	sor.u32 $0x100, s4;
	v10 =	vmul.u32 $0x3E8, v10;
	v15 =	vadd.s32 v28, v4;
	v4 =	vmul.u32 $0x3E8, v16  }
0x1b: {  	s15 =	sor.u32 $0xF0, s4;
	v12 =	vadd.s32 v28, v7;
	v7 =	vadd.s32 v28, v6;
	v16 =	vmov s16  }
0x1c: {  	s17 =	sor.u32 $0x110, s4;
	v6 =	vbroadcast v10, $0x0;
	v10 =	vmov s15;
	v4 =	vbroadcast v4, $0x0  }
0x1d: {  	v18 =	vmul.u32 $0x3E8, v16;
	v16 =	vmov s17;
	v17 =	vmul.u32 $0x3E8, v10  }
0x1e: {  	s18 =	sor.u32 $0x120, s4;
	v10 =	vadd.s32 v28, v6;
	v6 =	vmul.u32 $0x3E8, v16;
	v16 =	vadd.s32 v28, v4  }
0x1f: {  	v4 =	vbroadcast v17, $0x0;
	v17 =	vbroadcast v18, $0x0;
	v18 =	vmov s18  }
0x20: {  	v25 =	vmul.u32 $0x3E8, v25;
	v29 =	vmul.u32 $0x3E8, v29;
	v18 =	vmul.u32 $0x3E8, v18  }
0x21: {  	s21 =	sor.u32 $0x150, s4;
	v22 =	vadd.s32 v28, v4;
	v4 =	vadd.s32 v28, v17;
	v17 =	vmul.u32 $0x3E8, v20  }
0x22: {  	s30 =	sor.u32 $0x1F0, s4;
	v20 =	vbroadcast v19, $0x0;
	v19 =	vmov s21;
	v18 =	vbroadcast v18, $0x0  }
0x23: {  	v32 =	vmov s30;
	v31 =	vmul.u32 $0x3E8, v31;
	v23 =	vmul.u32 $0x3E8, v19  }
0x24: {  	v19 =	vadd.s32 v28, v18;
	v18 =	vadd.s32 v28, v20;
	v20 =	vmul.u32 $0x3E8, v24  }
0x25: {  	s24 =	sor.u32 $0x180, s4;
	v32 =	vmul.u32 $0x3E8, v32;
	v21 =	vbroadcast v21, $0x0;
	v29 =	vbroadcast v29, $0x0  }
0x26: {  	v34 =	vbroadcast v31, $0x0;
	v24 =	vbroadcast v20, $0x0;
	v20 =	vmov s24  }
0x27: {  	v32 =	vbroadcast v32, $0x0;
	v30 =	vadd.s32 v28, v21;
	s9 =	ssub.s32 $0x2, s3;
	v26 =	vmul.u32 $0x3E8, v20  }
0x28: {  	s7 =	sor.u32 $0x1B0, s4;
	s31 =	sshrl.u32 s9, $0x1;
	v13 =	vbroadcast v13, $0x0;
	v23 =	vbroadcast v23, $0x0;
	v21 =	vadd.s32 v28, v24  }
0x29: {  	s8 =	sor.u32 $0x1C0, s4;
	v24 =	vbroadcast v26, $0x0;
	v26 =	vbroadcast v25, $0x0;
	v25 =	vmov s7;
	s7 =	ssub.s32 s9, s31  }
0x2a: {  	s5 =	rddreg [dreg:$0x0];
	v20 =	vadd.s32 v28, v23;
	v23 =	vmul.u32 $0x3E8, v27;
	v27 =	vmov s8;
	s10 =	smax.u32 s7, $0x1  }
0x2b: {  	p0 =	por $0x0, $0x0;
	s1 =	rddreg [dreg:$0x2];
	v6 =	vbroadcast v6, $0x0;
	v27 =	vmul.u32 $0x3E8, v27;
	v25 =	vmul.u32 $0x3E8, v25;
	p1 =	sne.s32 s10, $0x1  }
.Ltmp0:
0x2c: {  	s2 =	simm.s32 $0x0;
	s4 =	sshrl.u32 s4, $0x3;
	v13 =	vadd.s32 v28, v13;
	v17 =	vbroadcast v17, $0x0;
	v23 =	vbroadcast v23, $0x0;
	(pc) =	sbr.rel @!p1 .LBB2_3-.Ltmp0, $4  }
0x2d: {  	[smem:$0x7FF] =	sst s2;
	s3 =	sadd.s32 $0x200A00, s5;
	s5 =	sadd.s32 s4, s5;
	v33 =	vbroadcast v25, $0x0;
	v25 =	vadd.s32 v28, v24;
	v24 =	vbroadcast v27, $0x0  }
0x2e: {  	s6 =	rddreg [dreg:$0x1];
	_ =	strace $0x80000047;
	s5 =	sadd.s32 $0xA00, s5;
	v6 =	vadd.s32 v28, v6;
	v17 =	vadd.s32 v28, v17;
	v26 =	vadd.s32 v28, v26  }
0x2f: {  	s8 =	simm.s32 $0x1;
	s9 =	sadd.s32 s6, s4;
	s4 =	simm.s32 $0x2;
	v31 =	vadd.s32 v28, v23;
	v23 =	vadd.s32 v28, v33;
	v27 =	vadd.s32 v28, v24  }
0x30: {  	s6 =	simm.s32 $0x400;
	s7 =	simm.s32 $0x200;
	s10 =	sadd.s32 $0xFFFFFFFF, s10;
	v24 =	vadd.s32 v28, v29;
	v29 =	vadd.s32 v28, v34;
	v28 =	vadd.s32 v28, v32  }
0x31: {  	[tilespmem:s2], [sflag:$0x2] =	stream.linear.gather [hbm4b:s9+s2], $0x200, $0x38;
	[tilespmem:$0x600] =	vst v63  }
0x32: {  	_ =	swait.ge [sflag:s4], $0x200  }
0x33: {  	[sflag:s4] =	ssyncset.done $0x0  }
0x34: {  	[sflag:s4] =	ssyncadd.s32 $0xFFFFFE00  }
0x35: {  	v32 =	vld [tilespmem:$0x50]  }
0x36: {  	v33 =	vld [tilespmem:$0x40]  }
0x37: {  	v34 =	vld [tilespmem:$0x1A0]  }
0x38: {  	v35 =	vld [tilespmem:$0x60]  }
0x39: {  	v36 =	vld [tilespmem:$0xF0]  }
0x3a: {  	v37 =	vld [tilespmem:$0x160]  }
0x3b: {  	v38 =	vld [tilespmem:$0x0]  }
0x3c: {  	v39 =	vld [tilespmem:$0x70];
	v33 =	vadd.s32 v33, v11  }
0x3d: {  	v53 =	vld [tilespmem:$0x80];
	v52 =	vadd.s32 v34, v31;
	[tilespmem:$0x240] =	vst v33  }
0x3e: {  	v54 =	vld [tilespmem:$0x90];
	v32 =	vadd.s32 v32, v8;
	[tilespmem:$0x3A0] =	vst v52  }
0x3f: {  	v57 =	vld [tilespmem:$0x10];
	v35 =	vadd.s32 v35, v14;
	[tilespmem:$0x250] =	vst v32  }
0x40: {  	v55 =	vld [tilespmem:$0xA0];
	v56 =	vadd.s32 v38, v3;
	[tilespmem:$0x260] =	vst v35  }
0x41: {  	v61 =	vld [tilespmem:$0x20];
	v36 =	vadd.s32 v36, v22;
	[tilespmem:$0x200] =	vst v56  }
0x42: {  	v40 =	vld [tilespmem:$0xD0];
	v39 =	vadd.s32 v39, v9;
	[tilespmem:$0x2F0] =	vst v36  }
0x43: {  	v44 =	vld [tilespmem:$0x120];
	v37 =	vadd.s32 v37, v30;
	[tilespmem:$0x270] =	vst v39  }
0x44: {  	v45 =	vld [tilespmem:$0x130];
	v60 =	vadd.s32 v57, v2;
	[tilespmem:$0x360] =	vst v37  }
0x45: {  	v63 =	vld [tilespmem:$0x110];
	v34 =	vadd.s32 v53, v5;
	[tilespmem:$0x210] =	vst v60  }
0x46: {  	v58 =	vld [tilespmem:$0xE0];
	v46 =	vadd.s32 v61, v1;
	[tilespmem:$0x280] =	vst v34  }
0x47: {  	v59 =	vld [tilespmem:$0xB0];
	v48 =	vadd.s32 v40, v13;
	[tilespmem:$0x220] =	vst v46  }
0x48: {  	v62 =	vld [tilespmem:$0xC0];
	v51 =	vadd.s32 v44, v19;
	[tilespmem:$0x2D0] =	vst v48  }
0x49: {  	v47 =	vld [tilespmem:$0x140];
	v53 =	vadd.s32 v45, v18;
	[tilespmem:$0x320] =	vst v51  }
0x4a: {  	v49 =	vld [tilespmem:$0x30];
	v63 =	vadd.s32 v63, v6;
	[tilespmem:$0x330] =	vst v53  }
0x4b: {  	v50 =	vld [tilespmem:$0x150];
	v33 =	vadd.s32 v54, v15;
	[tilespmem:$0x310] =	vst v63  }
0x4c: {  	v57 =	vld [tilespmem:$0x1B0];
	v32 =	vadd.s32 v55, v12;
	[tilespmem:$0x290] =	vst v33  }
0x4d: {  	v39 =	vld [tilespmem:$0x100];
	v35 =	vadd.s32 v58, v16;
	[tilespmem:$0x2A0] =	vst v32  }
0x4e: {  	v36 =	vadd.s32 v59, v7;
	v52 =	vld [tilespmem:$0x170];
	[tilespmem:$0x2E0] =	vst v35  }
0x4f: {  	v54 =	vld [tilespmem:$0x180];
	v55 =	vadd.s32 v47, v17;
	[tilespmem:$0x2B0] =	vst v36  }
0x50: {  	v56 =	vld [tilespmem:$0x190];
	v37 =	vadd.s32 v49, v0;
	[tilespmem:$0x340] =	vst v55  }
0x51: {  	p1 =	sne.s32 s10, $0x1;
	v58 =	vadd.s32 v50, v20;
	v59 =	vld [tilespmem:$0x1C0];
	[tilespmem:$0x230] =	vst v37  }
.Ltmp1:
0x52: {  	v34 =	vld [tilespmem:$0x1E0];
	v33 =	vadd.s32 v62, v10;
	[tilespmem:$0x350] =	vst v58;
	(pc) =	sbr.rel @!p1 .LBB2_3-.Ltmp1, $4  }
0x53: {  	v36 =	vld [tilespmem:$0x1F0];
	[tilespmem:$0x2C0] =	vst v33;
	v60 =	vadd.s32 v52, v21  }
0x54: {  	v33 =	vld [tilespmem:$0x1D0];
	v61 =	vadd.s32 v54, v25;
	[tilespmem:$0x370] =	vst v60  }
0x55: {  	v62 =	vadd.s32 v56, v26;
	[tilespmem:$0x380] =	vst v61  }
0x56: {  	s10 =	sadd.s32 $0xFFFFFFFF, s10;
	p0 =	por $0x1, $0x1;
	v35 =	vadd.s32 v57, v23;
	v32 =	vadd.s32 v39, v4;
	v37 =	vadd.s32 v59, v27;
	[tilespmem:$0x390] =	vst v62  }
.LBB2_2:
0x57: {  	p1 =	sne.s32 s10, $0x1;
	s10 =	sadd.s32 $0xFFFFFFFF, s10;
	[tilespmem:$0x3C0] =	vst v37  }
0x58: {  	[tilespmem:$0x300] =	vst v32;
	v32 =	vadd.s32 v34, v29  }
0x59: {  	v33 =	vadd.s32 v33, v24;
	[tilespmem:$0x3E0] =	vst v32;
	v32 =	vadd.s32 v36, v28  }
0x5a: {  	[tilespmem:$0x3F0] =	vst v32  }
0x5b: {  	[tilespmem:$0x3B0] =	vst v35  }
0x5c: {  	[tilespmem:$0x3D0] =	vst v33  }
0x5d: {  	[tilespmem:s6], [sflag:$0x1] =	stream.indirect.gather [hbm4b:s3+s7], $0x1, s7, s7, $0xb8;
	[tilespmem:$0x600] =	vst v63  }
0x5e: {  	_ =	swait.ge [sflag:s8], $0x200  }
0x5f: {  	[sflag:s8] =	ssyncset.done $0x0  }
0x60: {  	[sflag:s8] =	ssyncadd.s32 $0xFFFFFE00  }
0x61: {  	[hbm4b:s5+s2] =	stream.linear.scatter [tilespmem:s6], [sflag:$0x2], $0x200, $0x38;
	[tilespmem:$0x600] =	vst v63  }
0x62: {  	_ =	swait.ge [sflag:s4], $0x200  }
0x63: {  	[sflag:s4] =	ssyncset.done $0x0  }
0x64: {  	[sflag:s4] =	ssyncadd.s32 $0xFFFFFE00  }
0x65: {  	[tilespmem:s2], [sflag:$0x2] =	stream.linear.gather [hbm4b:s9+s2], $0x200, $0x38;
	[tilespmem:$0x600] =	vst v63  }
0x66: {  	_ =	swait.ge [sflag:s4], $0x200  }
0x67: {  	[sflag:s4] =	ssyncset.done $0x0  }
0x68: {  	[sflag:s4] =	ssyncadd.s32 $0xFFFFFE00  }
0x69: {  	v32 =	vld [tilespmem:$0x50]  }
0x6a: {  	v33 =	vld [tilespmem:$0x40]  }
0x6b: {  	v34 =	vld [tilespmem:$0x1A0]  }
0x6c: {  	v35 =	vld [tilespmem:$0x60]  }
0x6d: {  	v36 =	vld [tilespmem:$0xF0]  }
0x6e: {  	v37 =	vld [tilespmem:$0x160]  }
0x6f: {  	v38 =	vld [tilespmem:$0x0];
	v33 =	vadd.s32 v33, v11  }
0x70: {  	v32 =	vadd.s32 v32, v8;
	[tilespmem:$0x240] =	vst v33;
	v33 =	vld [tilespmem:$0x70];
	v34 =	vadd.s32 v34, v31  }
0x71: {  	v35 =	vadd.s32 v35, v14;
	v39 =	vld [tilespmem:$0x80];
	[tilespmem:$0x3A0] =	vst v34  }
0x72: {  	[tilespmem:$0x250] =	vst v32;
	v32 =	vld [tilespmem:$0x90];
	v34 =	vadd.s32 v36, v22  }
0x73: {  	[tilespmem:$0x260] =	vst v35;
	v35 =	vld [tilespmem:$0xA0];
	v36 =	vadd.s32 v37, v30  }
0x74: {  	v37 =	vadd.s32 v38, v3;
	v38 =	vld [tilespmem:$0x10]  }
0x75: {  	[tilespmem:$0x200] =	vst v37;
	v33 =	vadd.s32 v33, v9;
	v37 =	vld [tilespmem:$0xE0]  }
0x76: {  	v39 =	vadd.s32 v39, v5;
	v40 =	vld [tilespmem:$0xD0];
	[tilespmem:$0x2F0] =	vst v34  }
0x77: {  	[tilespmem:$0x270] =	vst v33;
	v32 =	vadd.s32 v32, v15;
	v33 =	vld [tilespmem:$0xB0]  }
0x78: {  	[tilespmem:$0x290] =	vst v32;
	v32 =	vadd.s32 v35, v12;
	v34 =	vld [tilespmem:$0x100]  }
0x79: {  	v35 =	vadd.s32 v38, v2;
	v38 =	vld [tilespmem:$0x20];
	[tilespmem:$0x360] =	vst v36  }
0x7a: {  	[tilespmem:$0x210] =	vst v35;
	v35 =	vld [tilespmem:$0xC0];
	v36 =	vadd.s32 v37, v16  }
0x7b: {  	[tilespmem:$0x2A0] =	vst v32;
	v37 =	vadd.s32 v40, v13;
	v40 =	vld [tilespmem:$0x110]  }
0x7c: {  	[tilespmem:$0x280] =	vst v39;
	v33 =	vadd.s32 v33, v7;
	v39 =	vld [tilespmem:$0x120]  }
0x7d: {  	[tilespmem:$0x2E0] =	vst v36;
	v32 =	vadd.s32 v34, v4;
	v34 =	vld [tilespmem:$0x130]  }
0x7e: {  	v36 =	vadd.s32 v38, v1;
	[tilespmem:$0x2B0] =	vst v33;
	v33 =	vld [tilespmem:$0x140]  }
0x7f: {  	[tilespmem:$0x220] =	vst v36;
	v36 =	vld [tilespmem:$0x30];
	v35 =	vadd.s32 v35, v10  }
0x80: {  	[tilespmem:$0x2D0] =	vst v37;
	v37 =	vadd.s32 v40, v6;
	v38 =	vld [tilespmem:$0x150]  }
0x81: {  	[tilespmem:$0x2C0] =	vst v35;
	v35 =	vadd.s32 v39, v19;
	v39 =	vld [tilespmem:$0x170]  }
0x82: {  	[tilespmem:$0x320] =	vst v35;
	v34 =	vadd.s32 v34, v18;
	v35 =	vld [tilespmem:$0x180]  }
0x83: {  	[tilespmem:$0x330] =	vst v34;
	v33 =	vadd.s32 v33, v17;
	v40 =	vld [tilespmem:$0x190]  }
0x84: {  	v34 =	vadd.s32 v36, v0;
	[tilespmem:$0x340] =	vst v33;
	v41 =	vld [tilespmem:$0x1B0]  }
0x85: {  	[tilespmem:$0x230] =	vst v34;
	v33 =	vadd.s32 v38, v20;
	v38 =	vld [tilespmem:$0x1C0]  }
.Ltmp2:
0x86: {  	[tilespmem:$0x350] =	vst v33;
	v34 =	vadd.s32 v39, v21;
	v33 =	vld [tilespmem:$0x1D0];
	(pc) =	sbr.rel @p1 .LBB2_2-.Ltmp2, $4  }
0x87: {  	[tilespmem:$0x370] =	vst v34;
	v35 =	vadd.s32 v35, v25;
	v34 =	vld [tilespmem:$0x1E0]  }
0x88: {  	[tilespmem:$0x380] =	vst v35;
	v35 =	vadd.s32 v40, v26;
	v36 =	vld [tilespmem:$0x1F0]  }
0x89: {  	[tilespmem:$0x390] =	vst v35;
	v35 =	vadd.s32 v41, v23  }
0x8a: {  	[tilespmem:$0x310] =	vst v37;
	v37 =	vadd.s32 v38, v27  }
.LBB2_3:
0x8b: {  	[tilespmem:$0x3C0] =	vst @p0 v37  }
0x8c: {  	[tilespmem:$0x300] =	vst @p0 v32  }
0x8d: {  	[tilespmem:$0x3B0] =	vst @p0 v35;
	v32 =	vadd.s32 @p0 v34, v29  }
0x8e: {  	[tilespmem:$0x3E0] =	vst @p0 v32;
	v32 =	vadd.s32 @p0 v36, v28  }
0x8f: {  	[tilespmem:$0x3F0] =	vst @p0 v32;
	v32 =	vadd.s32 @p0 v33, v24  }
0x90: {  	[tilespmem:$0x3D0] =	vst @p0 v32  }
0x91: {  	[tilespmem:s6], [sflag:$0x1] =	stream.indirect.gather @p0 [hbm4b:s3+s7], $0x1, s7, s7, $0xb8;
	[tilespmem:$0x600] =	vst v63  }
0x92: {  	_ =	swait.ge @p0 [sflag:s8], $0x200  }
0x93: {  	[sflag:s8] =	ssyncset.done @p0 $0x0  }
0x94: {  	[sflag:s8] =	ssyncadd.s32 @p0 $0xFFFFFE00  }
0x95: {  	[hbm4b:s5+s2] =	stream.linear.scatter @p0 [tilespmem:s6], [sflag:$0x2], $0x200, $0x38;
	[tilespmem:$0x600] =	vst v63  }
0x96: {  	_ =	swait.ge @p0 [sflag:s4], $0x200  }
0x97: {  	[sflag:s4] =	ssyncset.done @p0 $0x0  }
0x98: {  	[sflag:s4] =	ssyncadd.s32 @p0 $0xFFFFFE00  }
0x99: {  	[tilespmem:s2], [sflag:$0x2] =	stream.linear.gather [hbm4b:s9+s2], $0x200, $0x38;
	[tilespmem:$0x600] =	vst v63  }
0x9a: {  	_ =	swait.ge [sflag:s4], $0x200  }
0x9b: {  	[sflag:s4] =	ssyncset.done $0x0  }
0x9c: {  	[sflag:s4] =	ssyncadd.s32 $0xFFFFFE00  }
0x9d: {  	v50 =	vld [tilespmem:$0x40]  }
0x9e: {  	v51 =	vld [tilespmem:$0x1A0]  }
0x9f: {  	v52 =	vld [tilespmem:$0x50]  }
0xa0: {  	v53 =	vld [tilespmem:$0x60]  }
0xa1: {  	v54 =	vld [tilespmem:$0x0]  }
0xa2: {  	v55 =	vld [tilespmem:$0xF0];
	v11 =	vadd.s32 v50, v11  }
0xa3: {  	v56 =	vld [tilespmem:$0x70];
	v31 =	vadd.s32 v51, v31;
	[tilespmem:$0x240] =	vst v11  }
0xa4: {  	v58 =	vld [tilespmem:$0x160];
	v8 =	vadd.s32 v52, v8;
	[tilespmem:$0x3A0] =	vst v31  }
0xa5: {  	v59 =	vld [tilespmem:$0x10];
	v14 =	vadd.s32 v53, v14;
	[tilespmem:$0x250] =	vst v8  }
0xa6: {  	v61 =	vld [tilespmem:$0xA0];
	v3 =	vadd.s32 v54, v3;
	[tilespmem:$0x260] =	vst v14  }
0xa7: {  	v62 =	vld [tilespmem:$0x80];
	v60 =	vadd.s32 v55, v22;
	[tilespmem:$0x200] =	vst v3  }
0xa8: {  	v63 =	vld [tilespmem:$0xE0];
	v9 =	vadd.s32 v56, v9;
	[tilespmem:$0x2F0] =	vst v60  }
0xa9: {  	v33 =	vld [tilespmem:$0xB0];
	v32 =	vadd.s32 v58, v30;
	[tilespmem:$0x270] =	vst v9  }
0xaa: {  	v34 =	vld [tilespmem:$0x20];
	v2 =	vadd.s32 v59, v2;
	[tilespmem:$0x360] =	vst v32  }
0xab: {  	v35 =	vld [tilespmem:$0xD0];
	v12 =	vadd.s32 v61, v12;
	[tilespmem:$0x210] =	vst v2  }
0xac: {  	v40 =	vld [tilespmem:$0x130];
	v36 =	vadd.s32 v62, v5;
	[tilespmem:$0x2A0] =	vst v12  }
0xad: {  	v41 =	vld [tilespmem:$0x140];
	v38 =	vadd.s32 v63, v16;
	[tilespmem:$0x280] =	vst v36  }
0xae: {  	v43 =	vld [tilespmem:$0x30];
	v7 =	vadd.s32 v33, v7;
	[tilespmem:$0x2E0] =	vst v38  }
0xaf: {  	v44 =	vld [tilespmem:$0x150];
	v1 =	vadd.s32 v34, v1;
	[tilespmem:$0x2B0] =	vst v7  }
0xb0: {  	v45 =	vld [tilespmem:$0x170];
	v42 =	vadd.s32 v35, v13;
	[tilespmem:$0x220] =	vst v1  }
0xb1: {  	v47 =	vld [tilespmem:$0x180];
	v46 =	vadd.s32 v40, v18;
	[tilespmem:$0x2D0] =	vst v42  }
0xb2: {  	v57 =	vld [tilespmem:$0x90];
	v48 =	vadd.s32 v41, v17;
	[tilespmem:$0x330] =	vst v46  }
0xb3: {  	v37 =	vld [tilespmem:$0xC0];
	v0 =	vadd.s32 v43, v0;
	[tilespmem:$0x340] =	vst v48  }
0xb4: {  	v39 =	vld [tilespmem:$0x120];
	v51 =	vadd.s32 v44, v20;
	[tilespmem:$0x230] =	vst v0  }
0xb5: {  	v49 =	vld [tilespmem:$0x190];
	v54 =	vadd.s32 v45, v21;
	[tilespmem:$0x350] =	vst v51  }
0xb6: {  	v50 =	vld [tilespmem:$0x110];
	v55 =	vadd.s32 v47, v25;
	[tilespmem:$0x370] =	vst v54  }
0xb7: {  	v52 =	vld [tilespmem:$0x1C0];
	v31 =	vadd.s32 v57, v15;
	[tilespmem:$0x380] =	vst v55  }
0xb8: {  	v53 =	vld [tilespmem:$0x100];
	v3 =	vadd.s32 v37, v10;
	[tilespmem:$0x290] =	vst v31  }
0xb9: {  	v56 =	vld [tilespmem:$0x1E0];
	v2 =	vadd.s32 v39, v19;
	[tilespmem:$0x2C0] =	vst v3  }
0xba: {  	v58 =	vld [tilespmem:$0x1F0];
	v57 =	vadd.s32 v49, v26;
	[tilespmem:$0x320] =	vst v2  }
0xbb: {  	v59 =	vld [tilespmem:$0x1B0];
	[tilespmem:$0x390] =	vst v57;
	v6 =	vadd.s32 v50, v6  }
0xbc: {  	v60 =	vld [tilespmem:$0x1D0];
	v1 =	vadd.s32 v52, v27;
	[tilespmem:$0x310] =	vst v6  }
0xbd: {  	v2 =	vadd.s32 v53, v4;
	[tilespmem:$0x3C0] =	vst v1  }
0xbe: {  	v61 =	vadd.s32 v56, v29;
	[tilespmem:$0x300] =	vst v2  }
0xbf: {  	v62 =	vadd.s32 v58, v28;
	[tilespmem:$0x3E0] =	vst v61  }
0xc0: {  	v63 =	vadd.s32 v59, v23;
	[tilespmem:$0x3F0] =	vst v62  }
0xc1: {  	v0 =	vadd.s32 v60, v24;
	[tilespmem:$0x3B0] =	vst v63  }
0xc2: {  	[tilespmem:$0x3D0] =	vst v0  }
0xc3: {  	[tilespmem:s6], [sflag:$0x1] =	stream.indirect.gather [hbm4b:s3+s7], $0x1, s7, s7, $0xb8;
	[tilespmem:$0x600] =	vst v63  }
0xc4: {  	_ =	swait.ge [sflag:s8], $0x200  }
0xc5: {  	[sflag:s8] =	ssyncset.done $0x0  }
0xc6: {  	[sflag:s8] =	ssyncadd.s32 $0xFFFFFE00  }
0xc7: {  	[hbm4b:s5+s2] =	stream.linear.scatter [tilespmem:s6], [sflag:$0x2], $0x200, $0x38;
	[tilespmem:$0x600] =	vst v63  }
0xc8: {  	_ =	swait.ge [sflag:s4], $0x200  }
0xc9: {  	[sflag:s4] =	ssyncset.done $0x0  }
0xca: {  	[sflag:s4] =	ssyncadd.s32 $0xFFFFFE00  }
0xcb: {  	_ =	sfence.sel $0x180000  }
0xcc: {  	[bflag:$0x0] =	sbarrier.arrive $0xFFFF  }
0xcd: {  	p0 =	sne.s32 s0, $0x0;
	_ =	strace $0x90000047  }
0xce: {  	s0 =	sadd.s32 @!p0 $0x100000, s1;
	[bflag:$0x2] =	sbarrier.arrive $0xFFFF  }
0xcf: {  	[sflag:s0] =	ssyncadd.tile.s32 @!p0 $0x1;
	_ =	shalt  }
.Lfunc_end2:
_tile_overlayer_lowered:
.L_overlay_start_2:
0xd0: {  	(tag) =	ssettag $0x2  }
0xd1: {  	s0 =	rddreg [dreg:$0x0];
	s2 =	stileid.u32  }
0xd2: {  	s1 =	rddreg [dreg:$0x1];
	p0 =	sne.s32 s2, $0x0  }
0xd3: {  	s3 =	rddreg [dreg:$0x2];
	[bflag:$0x3] =	sbarrier.arrive $0xFFFF;
	s2 =	simm.s32 @!p0 $0x1C02  }
0xd4: {  	[timem:s3], [sflag:s2] =	dma.local @!p0 [hbm:s0], s1  }
0xd5: {  	s0 =	simm.s32 @!p0 $0x2  }
0xd6: {  	_ =	swait.ge @!p0 [sflag:s0], s1  }
0xd7: {  	s1 =	ssub.s32 @!p0 $0x0, s1;
	[sflag:s0] =	ssyncset.done @!p0 $0x0  }
0xd8: {  	[sflag:s0] =	ssyncadd.s32 @!p0 s1  }
0xd9: {  	[bflag:$0x3] =	sbarrier.arrive $0xFFFF  }
0xda: {  	_ =	shalt  }

</sc_bundles>
